<compile_context>
chip_gen: v7x
topology: tpu7x:2x2x1
jax: 0.10.2.dev20260603
libtpu: 0.0.44.dev20260713+nightly
codegen_flags: <defaults>
</compile_context>

<pallas_src>
import functools

import jax
import jax.numpy as jnp
from jax import lax
from jax.experimental import pallas as pl
from jax.experimental.pallas import tpu as pltpu
from jax.experimental.pallas import tpu_sc as plsc

CHAR_DIM = 32
WORD_DIM = 32
OUT_DIM = CHAR_DIM + WORD_DIM
IPR = 128
NB = 2
NSLOTS = 3


@functools.lru_cache(maxsize=None)
def _make_sc_kernel(n_batch: int, seq_len: int):
    info = plsc.get_sparse_core_info()
    nw = info.num_cores * info.num_subcores
    assert n_batch % (nw * NB) == 0
    batches_per_w = n_batch // nw
    n_iter = batches_per_w // NB
    assert n_iter >= NSLOTS
    nc = info.num_cores
    chunk_tok = NB * seq_len
    splits = []
    off = 0
    while off < seq_len:
        splits.append((off, min(IPR, seq_len - off)))
        off += min(IPR, seq_len - off)

    mesh = plsc.VectorSubcoreMesh(core_axis_name="c", subcore_axis_name="s")

    @functools.partial(
        pl.kernel,
        mesh=mesh,
        out_type=jax.ShapeDtypeStruct((n_batch, seq_len, OUT_DIM), jnp.float32),
        compiler_params=pltpu.CompilerParams(use_tc_tiling_on_sc=False),
        scratch_types=[
            pltpu.VMEM((NSLOTS, NB, 2, seq_len), jnp.int32),
            pltpu.VMEM((NSLOTS, NB, seq_len, CHAR_DIM), jnp.float32),
            pltpu.VMEM((NSLOTS, NB, seq_len, WORD_DIM), jnp.float32),
            pltpu.SemaphoreType.DMA((NSLOTS,)),
            pltpu.SemaphoreType.DMA((NSLOTS,)),
        ],
    )
    def k(voc_hbm, char_hbm, word_hbm, out_hbm, iv_v, cb_v, wb_v,
          sem_g, sem_w):
        wid = lax.axis_index("s") * nc + lax.axis_index("c")
        batch_base = wid * batches_per_w

        def gather_copies(slot):
            copies = []
            for b in range(NB):
                for (o, n) in splits:
                    copies.append(pltpu.make_async_copy(
                        char_hbm.at[iv_v.at[slot, b, 0, pl.ds(o, n)]],
                        cb_v.at[slot, b, pl.ds(o, n)],
                        sem_g.at[slot]))
                    copies.append(pltpu.make_async_copy(
                        word_hbm.at[iv_v.at[slot, b, 1, pl.ds(o, n)]],
                        wb_v.at[slot, b, pl.ds(o, n)],
                        sem_g.at[slot]))
            return copies

        def issue_gathers(chunk_i, slot):
            b0 = batch_base + chunk_i * NB
            pltpu.sync_copy(voc_hbm.at[pl.ds(b0, NB)], iv_v.at[slot])
            for c in gather_copies(slot):
                c.start()

        def write_copies(chunk_i, slot):
            b0 = batch_base + chunk_i * NB
            return [
                pltpu.make_async_copy(
                    cb_v.at[slot],
                    out_hbm.at[pl.ds(b0, NB), :, pl.ds(0, CHAR_DIM)],
                    sem_w.at[slot]),
                pltpu.make_async_copy(
                    wb_v.at[slot],
                    out_hbm.at[pl.ds(b0, NB), :, pl.ds(CHAR_DIM, WORD_DIM)],
                    sem_w.at[slot]),
            ]

        for p in range(NSLOTS - 1):
            issue_gathers(p, p)

        def body(i, carry):
            slot = lax.rem(i, NSLOTS)
            for c in gather_copies(slot):
                c.wait()
            for c in write_copies(i, slot):
                c.start()

            @pl.when(i + NSLOTS - 1 < n_iter)
            def _issue_ahead():
                nslot = lax.rem(i + NSLOTS - 1, NSLOTS)

                @pl.when(i > 0)
                def _drain_stale_write():
                    for c in write_copies(i - 1, nslot):
                        c.wait()

                issue_gathers(i + NSLOTS - 1, nslot)

            return carry

        lax.fori_loop(0, n_iter, body, 0)
        for tail in range(NSLOTS, 0, -1):
            for c in write_copies(n_iter - tail, (n_iter - tail) % NSLOTS):
                c.wait()

    return k


def kernel(voc, char_table, word_table):
    b, _, l = voc.shape
    if voc.dtype != jnp.int32:
        voc = voc.astype(jnp.int32)
    return _make_sc_kernel(b, l)(voc, char_table, word_table)

# --- scband reference (transcript-rebuilt; emitter-appended) ---
"""Pipeline reference for scband-zh-embedding-78795470012722 (READ-ONLY COPY).

The authoritative reference and input builder live on the scoring server;
editing this copy changes nothing except your own understanding.
"""

import jax, jax.numpy as jnp
import numpy as np

VOCAB = 100000
CHAR_DIM = 32
WORD_DIM = 32
B = 4096
L = 200

def setup_inputs(seed: int = 0) -> dict:
    key = jax.random.key(seed)
    k1, k2, k3 = jax.random.split(key, 3)
    voc = jax.random.randint(k1, (B, 2, L), 0, VOCAB + 1)
    # Tables loaded from .npy in the original; here materialized randomly.
    # load() appends one zero row (padding) -> VOCAB + 1 rows.
    char_table = jax.random.normal(k2, (VOCAB + 1, CHAR_DIM), dtype=jnp.float32) * 0.02
    char_table = char_table.at[-1].set(0.0)
    word_table = jax.random.normal(k3, (VOCAB + 1, WORD_DIM), dtype=jnp.float32) * 0.02
    word_table = word_table.at[-1].set(0.0)
    return {"voc": voc, "char_table": char_table, "word_table": word_table}

def reference(voc, char_table, word_table):
    char = jnp.take(char_table, voc[:, 0, :], axis=0)
    word = jnp.take(word_table, voc[:, 1, :], axis=0)
    out = jnp.concatenate((char, word), axis=2)
    return out

if __name__ == "__main__":
    import jax
    _d = setup_inputs()
    print(jax.jit(kernel)(*tuple(_d.values())))

</pallas_src>

<mosaic_0001>
#map = affine_map<(d0, d1) -> (0, 0, 0)>
#map1 = affine_map<(d0, d1) -> (0, 0)>
module attributes {stable_mosaic.version = 14 : i64} {
  func.func @k(%arg0: i32, %arg1: i32, %arg2: memref<4096x2x200xi32, #tpu.memory_space<hbm>>, %arg3: memref<100001x32xf32, #tpu.memory_space<hbm>>, %arg4: memref<100001x32xf32, #tpu.memory_space<hbm>>, %arg5: memref<4096x200x64xf32, #tpu.memory_space<hbm>>, %arg6: memref<3x2x2x200xi32, #tpu.memory_space<vmem>>, %arg7: memref<3x2x200x32xf32, #tpu.memory_space<vmem>>, %arg8: memref<3x2x200x32xf32, #tpu.memory_space<vmem>>, %arg9: memref<3x!tpu.dma_semaphore, #tpu.memory_space<semaphore_mem>>, %arg10: memref<3x!tpu.dma_semaphore, #tpu.memory_space<semaphore_mem>>) attributes {dimension_semantics = [#tpu.dimension_semantics<core_parallel>, #tpu.dimension_semantics<subcore_parallel>], iteration_bounds = array<i64: 2, 16>, scalar_prefetch = 0 : i64, scratch_operands = 5 : i64, tpu.core_type = #tpu.core_type<sc_vector_subcore>, window_params = [{transform_indices = #map}, {transform_indices = #map1}, {transform_indices = #map1}, {transform_indices = #map}]} {
    %mul3A = arith.constant 2 : i32
    %mul3A_0 = arith.muli %arg1, %mul3A : i32
    %add3A = arith.addi %mul3A_0, %arg0 : i32
    %mul3A_1 = arith.constant 128 : i32
    %mul3A_2 = arith.muli %add3A, %mul3A_1 : i32
    %add3A_3 = arith.constant 0 : i32
    %add3A_4 = arith.addi %mul3A_2, %add3A_3 : i32
    %run_scoped3A = arith.constant 0 : i32
    "tpu.region"() ({
      %run_scoped3A_425 = tpu.sem_alloc : memref<!tpu.dma_semaphore, #tpu.memory_space<semaphore_mem>>
      %dma_start3A_426 = arith.constant 0 : i32
      %dma_start3A_427 = arith.constant 0 : i32
      %dma_start3A_428 = arith.constant 0 : i32
      %dma_start3A_429 = tpu.memref_slice %arg6[%run_scoped3A, %dma_start3A_426, %dma_start3A_427, %dma_start3A_428] : memref<3x2x2x200xi32, #tpu.memory_space<vmem>> -> memref<1x2x2x200xi32, #tpu.memory_space<vmem>>
      %dma_start3A_430 = tpu.memref_squeeze %dma_start3A_429 : memref<1x2x2x200xi32, #tpu.memory_space<vmem>> -> memref<2x2x200xi32, #tpu.memory_space<vmem>>
      %dma_start3A_431 = arith.constant 0 : i32
      %dma_start3A_432 = arith.constant 0 : i32
      %dma_start3A_433 = tpu.memref_slice %arg2[%add3A_4, %dma_start3A_431, %dma_start3A_432] : memref<4096x2x200xi32, #tpu.memory_space<hbm>> -> memref<2x2x200xi32, #tpu.memory_space<hbm>>
      %dma_start3A_434 = arith.constant 0 : i32
      %dma_start3A_435 = arith.constant 0 : i32
      %dma_start3A_436 = arith.constant 0 : i32
      %dma_start3A_437 = tpu.memref_slice %arg6[%run_scoped3A, %dma_start3A_434, %dma_start3A_435, %dma_start3A_436] : memref<3x2x2x200xi32, #tpu.memory_space<vmem>> -> memref<1x2x2x200xi32, #tpu.memory_space<vmem>>
      %dma_start3A_438 = tpu.memref_squeeze %dma_start3A_437 : memref<1x2x2x200xi32, #tpu.memory_space<vmem>> -> memref<2x2x200xi32, #tpu.memory_space<vmem>>
      %dma_start3A_439 = arith.constant 0 : i32
      %dma_start3A_440 = arith.constant 0 : i32
      %dma_start3A_441 = tpu.memref_slice %arg2[%add3A_4, %dma_start3A_439, %dma_start3A_440] : memref<4096x2x200xi32, #tpu.memory_space<hbm>> -> memref<2x2x200xi32, #tpu.memory_space<hbm>>
      tpu.enqueue_dma source(%dma_start3A_441 : memref<2x2x200xi32, #tpu.memory_space<hbm>>) target(%dma_start3A_438 : memref<2x2x200xi32, #tpu.memory_space<vmem>>) target_semaphore(%run_scoped3A_425 : memref<!tpu.dma_semaphore, #tpu.memory_space<semaphore_mem>>)
      %dma_wait3A_442 = arith.constant 0 : i32
      %dma_wait3A_443 = arith.constant 0 : i32
      %dma_wait3A_444 = arith.constant 0 : i32
      %dma_wait3A_445 = tpu.memref_slice %arg6[%run_scoped3A, %dma_wait3A_442, %dma_wait3A_443, %dma_wait3A_444] : memref<3x2x2x200xi32, #tpu.memory_space<vmem>> -> memref<1x2x2x200xi32, #tpu.memory_space<vmem>>
      %dma_wait3A_446 = tpu.memref_squeeze %dma_wait3A_445 : memref<1x2x2x200xi32, #tpu.memory_space<vmem>> -> memref<2x2x200xi32, #tpu.memory_space<vmem>>
      %dma_wait3A_447 = arith.constant 0 : i32
      %dma_wait3A_448 = arith.constant 0 : i32
      %dma_wait3A_449 = tpu.memref_slice %arg2[%add3A_4, %dma_wait3A_447, %dma_wait3A_448] : memref<4096x2x200xi32, #tpu.memory_space<hbm>> -> memref<2x2x200xi32, #tpu.memory_space<hbm>>
      %dma_wait3A_450 = arith.constant 0 : i32
      %dma_wait3A_451 = arith.constant 0 : i32
      %dma_wait3A_452 = arith.constant 0 : i32
      %dma_wait3A_453 = tpu.memref_slice %arg6[%run_scoped3A, %dma_wait3A_450, %dma_wait3A_451, %dma_wait3A_452] : memref<3x2x2x200xi32, #tpu.memory_space<vmem>> -> memref<1x2x2x200xi32, #tpu.memory_space<vmem>>
      %dma_wait3A_454 = tpu.memref_squeeze %dma_wait3A_453 : memref<1x2x2x200xi32, #tpu.memory_space<vmem>> -> memref<2x2x200xi32, #tpu.memory_space<vmem>>
      %dma_wait3A_455 = arith.constant 0 : i32
      %dma_wait3A_456 = arith.constant 0 : i32
      %dma_wait3A_457 = tpu.memref_slice %arg2[%add3A_4, %dma_wait3A_455, %dma_wait3A_456] : memref<4096x2x200xi32, #tpu.memory_space<hbm>> -> memref<2x2x200xi32, #tpu.memory_space<hbm>>
      tpu.wait_dma2 semaphore(%run_scoped3A_425 : memref<!tpu.dma_semaphore, #tpu.memory_space<semaphore_mem>>) src(%dma_wait3A_457 : memref<2x2x200xi32, #tpu.memory_space<hbm>>) dst(%dma_wait3A_454 : memref<2x2x200xi32, #tpu.memory_space<vmem>>)
      tpu.yield
    }) : () -> ()
    %dma_start3A = arith.constant 0 : i32
    %dma_start3A_5 = arith.constant 0 : i32
    %dma_start3A_6 = arith.constant 0 : i32
    %dma_start3A_7 = arith.constant 0 : i32
    %dma_start3A_8 = arith.constant 0 : i32
    %dma_start3A_9 = arith.constant 0 : i32
    %dma_start3A_10 = arith.constant 0 : i32
    %dma_start3A_11 = arith.constant 0 : i32
    %dma_start3A_12 = tpu.memref_slice %arg7[%dma_start3A_7, %dma_start3A_8, %dma_start3A_10, %dma_start3A_11] : memref<3x2x200x32xf32, #tpu.memory_space<vmem>> -> memref<1x1x128x32xf32, #tpu.memory_space<vmem>>
    %dma_start3A_13 = tpu.memref_squeeze %dma_start3A_12 : memref<1x1x128x32xf32, #tpu.memory_space<vmem>> -> memref<128x32xf32, #tpu.memory_space<vmem>>
    %dma_start3A_14 = arith.constant 0 : i32
    %dma_start3A_15 = tpu.memref_slice %arg6[%dma_start3A, %dma_start3A_5, %dma_start3A_6, %dma_start3A_14] : memref<3x2x2x200xi32, #tpu.memory_space<vmem>> -> memref<1x1x1x128xi32, #tpu.memory_space<vmem>>
    %dma_start3A_16 = tpu.memref_squeeze %dma_start3A_15 : memref<1x1x1x128xi32, #tpu.memory_space<vmem>> -> memref<128xi32, #tpu.memory_space<vmem>>
    %dma_start3A_17 = arith.constant 0 : i32
    %dma_start3A_18 = arith.constant 0 : i32
    %dma_start3A_19 = tpu.memref_slice %arg3[%dma_start3A_17, %dma_start3A_18] : memref<100001x32xf32, #tpu.memory_space<hbm>> -> memref<100001x32xf32, #tpu.memory_space<hbm>>
    %dma_start3A_20 = tpu.memref_slice %arg9[%dma_start3A_9] : memref<3x!tpu.dma_semaphore, #tpu.memory_space<semaphore_mem>> -> memref<1x!tpu.dma_semaphore, #tpu.memory_space<semaphore_mem>>
    %dma_start3A_21 = tpu.memref_squeeze %dma_start3A_20 : memref<1x!tpu.dma_semaphore, #tpu.memory_space<semaphore_mem>> -> memref<!tpu.dma_semaphore, #tpu.memory_space<semaphore_mem>>
    tpu.enqueue_indirect_dma source(%dma_start3A_19 : memref<100001x32xf32, #tpu.memory_space<hbm>>) target(%dma_start3A_13 : memref<128x32xf32, #tpu.memory_space<vmem>>) offsets(%dma_start3A_16 : memref<128xi32, #tpu.memory_space<vmem>>) semaphore(%dma_start3A_21 : memref<!tpu.dma_semaphore, #tpu.memory_space<semaphore_mem>>)
    %dma_start3A_22 = arith.constant 0 : i32
    %dma_start3A_23 = arith.constant 0 : i32
    %dma_start3A_24 = arith.constant 1 : i32
    %dma_start3A_25 = arith.constant 0 : i32
    %dma_start3A_26 = arith.constant 0 : i32
    %dma_start3A_27 = arith.constant 0 : i32
    %dma_start3A_28 = arith.constant 0 : i32
    %dma_start3A_29 = arith.constant 0 : i32
    %dma_start3A_30 = tpu.memref_slice %arg8[%dma_start3A_25, %dma_start3A_26, %dma_start3A_28, %dma_start3A_29] : memref<3x2x200x32xf32, #tpu.memory_space<vmem>> -> memref<1x1x128x32xf32, #tpu.memory_space<vmem>>
    %dma_start3A_31 = tpu.memref_squeeze %dma_start3A_30 : memref<1x1x128x32xf32, #tpu.memory_space<vmem>> -> memref<128x32xf32, #tpu.memory_space<vmem>>
    %dma_start3A_32 = arith.constant 0 : i32
    %dma_start3A_33 = tpu.memref_slice %arg6[%dma_start3A_22, %dma_start3A_23, %dma_start3A_24, %dma_start3A_32] : memref<3x2x2x200xi32, #tpu.memory_space<vmem>> -> memref<1x1x1x128xi32, #tpu.memory_space<vmem>>
    %dma_start3A_34 = tpu.memref_squeeze %dma_start3A_33 : memref<1x1x1x128xi32, #tpu.memory_space<vmem>> -> memref<128xi32, #tpu.memory_space<vmem>>
    %dma_start3A_35 = arith.constant 0 : i32
    %dma_start3A_36 = arith.constant 0 : i32
    %dma_start3A_37 = tpu.memref_slice %arg4[%dma_start3A_35, %dma_start3A_36] : memref<100001x32xf32, #tpu.memory_space<hbm>> -> memref<100001x32xf32, #tpu.memory_space<hbm>>
    %dma_start3A_38 = tpu.memref_slice %arg9[%dma_start3A_27] : memref<3x!tpu.dma_semaphore, #tpu.memory_space<semaphore_mem>> -> memref<1x!tpu.dma_semaphore, #tpu.memory_space<semaphore_mem>>
    %dma_start3A_39 = tpu.memref_squeeze %dma_start3A_38 : memref<1x!tpu.dma_semaphore, #tpu.memory_space<semaphore_mem>> -> memref<!tpu.dma_semaphore, #tpu.memory_space<semaphore_mem>>
    tpu.enqueue_indirect_dma source(%dma_start3A_37 : memref<100001x32xf32, #tpu.memory_space<hbm>>) target(%dma_start3A_31 : memref<128x32xf32, #tpu.memory_space<vmem>>) offsets(%dma_start3A_34 : memref<128xi32, #tpu.memory_space<vmem>>) semaphore(%dma_start3A_39 : memref<!tpu.dma_semaphore, #tpu.memory_space<semaphore_mem>>)
    %dma_start3A_40 = arith.constant 0 : i32
    %dma_start3A_41 = arith.constant 0 : i32
    %dma_start3A_42 = arith.constant 0 : i32
    %dma_start3A_43 = arith.constant 0 : i32
    %dma_start3A_44 = arith.constant 0 : i32
    %dma_start3A_45 = arith.constant 0 : i32
    %dma_start3A_46 = arith.constant 128 : i32
    %dma_start3A_47 = arith.constant 0 : i32
    %dma_start3A_48 = tpu.memref_slice %arg7[%dma_start3A_43, %dma_start3A_44, %dma_start3A_46, %dma_start3A_47] : memref<3x2x200x32xf32, #tpu.memory_space<vmem>> -> memref<1x1x72x32xf32, #tpu.memory_space<vmem>>
    %dma_start3A_49 = tpu.memref_squeeze %dma_start3A_48 : memref<1x1x72x32xf32, #tpu.memory_space<vmem>> -> memref<72x32xf32, #tpu.memory_space<vmem>>
    %dma_start3A_50 = arith.constant 128 : i32
    %dma_start3A_51 = tpu.memref_slice %arg6[%dma_start3A_40, %dma_start3A_41, %dma_start3A_42, %dma_start3A_50] : memref<3x2x2x200xi32, #tpu.memory_space<vmem>> -> memref<1x1x1x72xi32, #tpu.memory_space<vmem>>
    %dma_start3A_52 = tpu.memref_squeeze %dma_start3A_51 : memref<1x1x1x72xi32, #tpu.memory_space<vmem>> -> memref<72xi32, #tpu.memory_space<vmem>>
    %dma_start3A_53 = arith.constant 0 : i32
    %dma_start3A_54 = arith.constant 0 : i32
    %dma_start3A_55 = tpu.memref_slice %arg3[%dma_start3A_53, %dma_start3A_54] : memref<100001x32xf32, #tpu.memory_space<hbm>> -> memref<100001x32xf32, #tpu.memory_space<hbm>>
    %dma_start3A_56 = tpu.memref_slice %arg9[%dma_start3A_45] : memref<3x!tpu.dma_semaphore, #tpu.memory_space<semaphore_mem>> -> memref<1x!tpu.dma_semaphore, #tpu.memory_space<semaphore_mem>>
    %dma_start3A_57 = tpu.memref_squeeze %dma_start3A_56 : memref<1x!tpu.dma_semaphore, #tpu.memory_space<semaphore_mem>> -> memref<!tpu.dma_semaphore, #tpu.memory_space<semaphore_mem>>
    tpu.enqueue_indirect_dma source(%dma_start3A_55 : memref<100001x32xf32, #tpu.memory_space<hbm>>) target(%dma_start3A_49 : memref<72x32xf32, #tpu.memory_space<vmem>>) offsets(%dma_start3A_52 : memref<72xi32, #tpu.memory_space<vmem>>) semaphore(%dma_start3A_57 : memref<!tpu.dma_semaphore, #tpu.memory_space<semaphore_mem>>)
    %dma_start3A_58 = arith.constant 0 : i32
    %dma_start3A_59 = arith.constant 0 : i32
    %dma_start3A_60 = arith.constant 1 : i32
    %dma_start3A_61 = arith.constant 0 : i32
    %dma_start3A_62 = arith.constant 0 : i32
    %dma_start3A_63 = arith.constant 0 : i32
    %dma_start3A_64 = arith.constant 128 : i32
    %dma_start3A_65 = arith.constant 0 : i32
    %dma_start3A_66 = tpu.memref_slice %arg8[%dma_start3A_61, %dma_start3A_62, %dma_start3A_64, %dma_start3A_65] : memref<3x2x200x32xf32, #tpu.memory_space<vmem>> -> memref<1x1x72x32xf32, #tpu.memory_space<vmem>>
    %dma_start3A_67 = tpu.memref_squeeze %dma_start3A_66 : memref<1x1x72x32xf32, #tpu.memory_space<vmem>> -> memref<72x32xf32, #tpu.memory_space<vmem>>
    %dma_start3A_68 = arith.constant 128 : i32
    %dma_start3A_69 = tpu.memref_slice %arg6[%dma_start3A_58, %dma_start3A_59, %dma_start3A_60, %dma_start3A_68] : memref<3x2x2x200xi32, #tpu.memory_space<vmem>> -> memref<1x1x1x72xi32, #tpu.memory_space<vmem>>
    %dma_start3A_70 = tpu.memref_squeeze %dma_start3A_69 : memref<1x1x1x72xi32, #tpu.memory_space<vmem>> -> memref<72xi32, #tpu.memory_space<vmem>>
    %dma_start3A_71 = arith.constant 0 : i32
    %dma_start3A_72 = arith.constant 0 : i32
    %dma_start3A_73 = tpu.memref_slice %arg4[%dma_start3A_71, %dma_start3A_72] : memref<100001x32xf32, #tpu.memory_space<hbm>> -> memref<100001x32xf32, #tpu.memory_space<hbm>>
    %dma_start3A_74 = tpu.memref_slice %arg9[%dma_start3A_63] : memref<3x!tpu.dma_semaphore, #tpu.memory_space<semaphore_mem>> -> memref<1x!tpu.dma_semaphore, #tpu.memory_space<semaphore_mem>>
    %dma_start3A_75 = tpu.memref_squeeze %dma_start3A_74 : memref<1x!tpu.dma_semaphore, #tpu.memory_space<semaphore_mem>> -> memref<!tpu.dma_semaphore, #tpu.memory_space<semaphore_mem>>
    tpu.enqueue_indirect_dma source(%dma_start3A_73 : memref<100001x32xf32, #tpu.memory_space<hbm>>) target(%dma_start3A_67 : memref<72x32xf32, #tpu.memory_space<vmem>>) offsets(%dma_start3A_70 : memref<72xi32, #tpu.memory_space<vmem>>) semaphore(%dma_start3A_75 : memref<!tpu.dma_semaphore, #tpu.memory_space<semaphore_mem>>)
    %dma_start3A_76 = arith.constant 0 : i32
    %dma_start3A_77 = arith.constant 1 : i32
    %dma_start3A_78 = arith.constant 0 : i32
    %dma_start3A_79 = arith.constant 0 : i32
    %dma_start3A_80 = arith.constant 1 : i32
    %dma_start3A_81 = arith.constant 0 : i32
    %dma_start3A_82 = arith.constant 0 : i32
    %dma_start3A_83 = arith.constant 0 : i32
    %dma_start3A_84 = tpu.memref_slice %arg7[%dma_start3A_79, %dma_start3A_80, %dma_start3A_82, %dma_start3A_83] : memref<3x2x200x32xf32, #tpu.memory_space<vmem>> -> memref<1x1x128x32xf32, #tpu.memory_space<vmem>>
    %dma_start3A_85 = tpu.memref_squeeze %dma_start3A_84 : memref<1x1x128x32xf32, #tpu.memory_space<vmem>> -> memref<128x32xf32, #tpu.memory_space<vmem>>
    %dma_start3A_86 = arith.constant 0 : i32
    %dma_start3A_87 = tpu.memref_slice %arg6[%dma_start3A_76, %dma_start3A_77, %dma_start3A_78, %dma_start3A_86] : memref<3x2x2x200xi32, #tpu.memory_space<vmem>> -> memref<1x1x1x128xi32, #tpu.memory_space<vmem>>
    %dma_start3A_88 = tpu.memref_squeeze %dma_start3A_87 : memref<1x1x1x128xi32, #tpu.memory_space<vmem>> -> memref<128xi32, #tpu.memory_space<vmem>>
    %dma_start3A_89 = arith.constant 0 : i32
    %dma_start3A_90 = arith.constant 0 : i32
    %dma_start3A_91 = tpu.memref_slice %arg3[%dma_start3A_89, %dma_start3A_90] : memref<100001x32xf32, #tpu.memory_space<hbm>> -> memref<100001x32xf32, #tpu.memory_space<hbm>>
    %dma_start3A_92 = tpu.memref_slice %arg9[%dma_start3A_81] : memref<3x!tpu.dma_semaphore, #tpu.memory_space<semaphore_mem>> -> memref<1x!tpu.dma_semaphore, #tpu.memory_space<semaphore_mem>>
    %dma_start3A_93 = tpu.memref_squeeze %dma_start3A_92 : memref<1x!tpu.dma_semaphore, #tpu.memory_space<semaphore_mem>> -> memref<!tpu.dma_semaphore, #tpu.memory_space<semaphore_mem>>
    tpu.enqueue_indirect_dma source(%dma_start3A_91 : memref<100001x32xf32, #tpu.memory_space<hbm>>) target(%dma_start3A_85 : memref<128x32xf32, #tpu.memory_space<vmem>>) offsets(%dma_start3A_88 : memref<128xi32, #tpu.memory_space<vmem>>) semaphore(%dma_start3A_93 : memref<!tpu.dma_semaphore, #tpu.memory_space<semaphore_mem>>)
    %dma_start3A_94 = arith.constant 0 : i32
    %dma_start3A_95 = arith.constant 1 : i32
    %dma_start3A_96 = arith.constant 1 : i32
    %dma_start3A_97 = arith.constant 0 : i32
    %dma_start3A_98 = arith.constant 1 : i32
    %dma_start3A_99 = arith.constant 0 : i32
    %dma_start3A_100 = arith.constant 0 : i32
    %dma_start3A_101 = arith.constant 0 : i32
    %dma_start3A_102 = tpu.memref_slice %arg8[%dma_start3A_97, %dma_start3A_98, %dma_start3A_100, %dma_start3A_101] : memref<3x2x200x32xf32, #tpu.memory_space<vmem>> -> memref<1x1x128x32xf32, #tpu.memory_space<vmem>>
    %dma_start3A_103 = tpu.memref_squeeze %dma_start3A_102 : memref<1x1x128x32xf32, #tpu.memory_space<vmem>> -> memref<128x32xf32, #tpu.memory_space<vmem>>
    %dma_start3A_104 = arith.constant 0 : i32
    %dma_start3A_105 = tpu.memref_slice %arg6[%dma_start3A_94, %dma_start3A_95, %dma_start3A_96, %dma_start3A_104] : memref<3x2x2x200xi32, #tpu.memory_space<vmem>> -> memref<1x1x1x128xi32, #tpu.memory_space<vmem>>
    %dma_start3A_106 = tpu.memref_squeeze %dma_start3A_105 : memref<1x1x1x128xi32, #tpu.memory_space<vmem>> -> memref<128xi32, #tpu.memory_space<vmem>>
    %dma_start3A_107 = arith.constant 0 : i32
    %dma_start3A_108 = arith.constant 0 : i32
    %dma_start3A_109 = tpu.memref_slice %arg4[%dma_start3A_107, %dma_start3A_108] : memref<100001x32xf32, #tpu.memory_space<hbm>> -> memref<100001x32xf32, #tpu.memory_space<hbm>>
    %dma_start3A_110 = tpu.memref_slice %arg9[%dma_start3A_99] : memref<3x!tpu.dma_semaphore, #tpu.memory_space<semaphore_mem>> -> memref<1x!tpu.dma_semaphore, #tpu.memory_space<semaphore_mem>>
    %dma_start3A_111 = tpu.memref_squeeze %dma_start3A_110 : memref<1x!tpu.dma_semaphore, #tpu.memory_space<semaphore_mem>> -> memref<!tpu.dma_semaphore, #tpu.memory_space<semaphore_mem>>
    tpu.enqueue_indirect_dma source(%dma_start3A_109 : memref<100001x32xf32, #tpu.memory_space<hbm>>) target(%dma_start3A_103 : memref<128x32xf32, #tpu.memory_space<vmem>>) offsets(%dma_start3A_106 : memref<128xi32, #tpu.memory_space<vmem>>) semaphore(%dma_start3A_111 : memref<!tpu.dma_semaphore, #tpu.memory_space<semaphore_mem>>)
    %dma_start3A_112 = arith.constant 0 : i32
    %dma_start3A_113 = arith.constant 1 : i32
    %dma_start3A_114 = arith.constant 0 : i32
    %dma_start3A_115 = arith.constant 0 : i32
    %dma_start3A_116 = arith.constant 1 : i32
    %dma_start3A_117 = arith.constant 0 : i32
    %dma_start3A_118 = arith.constant 128 : i32
    %dma_start3A_119 = arith.constant 0 : i32
    %dma_start3A_120 = tpu.memref_slice %arg7[%dma_start3A_115, %dma_start3A_116, %dma_start3A_118, %dma_start3A_119] : memref<3x2x200x32xf32, #tpu.memory_space<vmem>> -> memref<1x1x72x32xf32, #tpu.memory_space<vmem>>
    %dma_start3A_121 = tpu.memref_squeeze %dma_start3A_120 : memref<1x1x72x32xf32, #tpu.memory_space<vmem>> -> memref<72x32xf32, #tpu.memory_space<vmem>>
    %dma_start3A_122 = arith.constant 128 : i32
    %dma_start3A_123 = tpu.memref_slice %arg6[%dma_start3A_112, %dma_start3A_113, %dma_start3A_114, %dma_start3A_122] : memref<3x2x2x200xi32, #tpu.memory_space<vmem>> -> memref<1x1x1x72xi32, #tpu.memory_space<vmem>>
    %dma_start3A_124 = tpu.memref_squeeze %dma_start3A_123 : memref<1x1x1x72xi32, #tpu.memory_space<vmem>> -> memref<72xi32, #tpu.memory_space<vmem>>
    %dma_start3A_125 = arith.constant 0 : i32
    %dma_start3A_126 = arith.constant 0 : i32
    %dma_start3A_127 = tpu.memref_slice %arg3[%dma_start3A_125, %dma_start3A_126] : memref<100001x32xf32, #tpu.memory_space<hbm>> -> memref<100001x32xf32, #tpu.memory_space<hbm>>
    %dma_start3A_128 = tpu.memref_slice %arg9[%dma_start3A_117] : memref<3x!tpu.dma_semaphore, #tpu.memory_space<semaphore_mem>> -> memref<1x!tpu.dma_semaphore, #tpu.memory_space<semaphore_mem>>
    %dma_start3A_129 = tpu.memref_squeeze %dma_start3A_128 : memref<1x!tpu.dma_semaphore, #tpu.memory_space<semaphore_mem>> -> memref<!tpu.dma_semaphore, #tpu.memory_space<semaphore_mem>>
    tpu.enqueue_indirect_dma source(%dma_start3A_127 : memref<100001x32xf32, #tpu.memory_space<hbm>>) target(%dma_start3A_121 : memref<72x32xf32, #tpu.memory_space<vmem>>) offsets(%dma_start3A_124 : memref<72xi32, #tpu.memory_space<vmem>>) semaphore(%dma_start3A_129 : memref<!tpu.dma_semaphore, #tpu.memory_space<semaphore_mem>>)
    %dma_start3A_130 = arith.constant 0 : i32
    %dma_start3A_131 = arith.constant 1 : i32
    %dma_start3A_132 = arith.constant 1 : i32
    %dma_start3A_133 = arith.constant 0 : i32
    %dma_start3A_134 = arith.constant 1 : i32
    %dma_start3A_135 = arith.constant 0 : i32
    %dma_start3A_136 = arith.constant 128 : i32
    %dma_start3A_137 = arith.constant 0 : i32
    %dma_start3A_138 = tpu.memref_slice %arg8[%dma_start3A_133, %dma_start3A_134, %dma_start3A_136, %dma_start3A_137] : memref<3x2x200x32xf32, #tpu.memory_space<vmem>> -> memref<1x1x72x32xf32, #tpu.memory_space<vmem>>
    %dma_start3A_139 = tpu.memref_squeeze %dma_start3A_138 : memref<1x1x72x32xf32, #tpu.memory_space<vmem>> -> memref<72x32xf32, #tpu.memory_space<vmem>>
    %dma_start3A_140 = arith.constant 128 : i32
    %dma_start3A_141 = tpu.memref_slice %arg6[%dma_start3A_130, %dma_start3A_131, %dma_start3A_132, %dma_start3A_140] : memref<3x2x2x200xi32, #tpu.memory_space<vmem>> -> memref<1x1x1x72xi32, #tpu.memory_space<vmem>>
    %dma_start3A_142 = tpu.memref_squeeze %dma_start3A_141 : memref<1x1x1x72xi32, #tpu.memory_space<vmem>> -> memref<72xi32, #tpu.memory_space<vmem>>
    %dma_start3A_143 = arith.constant 0 : i32
    %dma_start3A_144 = arith.constant 0 : i32
    %dma_start3A_145 = tpu.memref_slice %arg4[%dma_start3A_143, %dma_start3A_144] : memref<100001x32xf32, #tpu.memory_space<hbm>> -> memref<100001x32xf32, #tpu.memory_space<hbm>>
    %dma_start3A_146 = tpu.memref_slice %arg9[%dma_start3A_135] : memref<3x!tpu.dma_semaphore, #tpu.memory_space<semaphore_mem>> -> memref<1x!tpu.dma_semaphore, #tpu.memory_space<semaphore_mem>>
    %dma_start3A_147 = tpu.memref_squeeze %dma_start3A_146 : memref<1x!tpu.dma_semaphore, #tpu.memory_space<semaphore_mem>> -> memref<!tpu.dma_semaphore, #tpu.memory_space<semaphore_mem>>
    tpu.enqueue_indirect_dma source(%dma_start3A_145 : memref<100001x32xf32, #tpu.memory_space<hbm>>) target(%dma_start3A_139 : memref<72x32xf32, #tpu.memory_space<vmem>>) offsets(%dma_start3A_142 : memref<72xi32, #tpu.memory_space<vmem>>) semaphore(%dma_start3A_147 : memref<!tpu.dma_semaphore, #tpu.memory_space<semaphore_mem>>)
    %add3A_148 = arith.constant 2 : i32
    %add3A_149 = arith.addi %mul3A_2, %add3A_148 : i32
    %run_scoped3A_150 = arith.constant 1 : i32
    "tpu.region"() ({
      %run_scoped3A_425 = tpu.sem_alloc : memref<!tpu.dma_semaphore, #tpu.memory_space<semaphore_mem>>
      %dma_start3A_426 = arith.constant 0 : i32
      %dma_start3A_427 = arith.constant 0 : i32
      %dma_start3A_428 = arith.constant 0 : i32
      %dma_start3A_429 = tpu.memref_slice %arg6[%run_scoped3A_150, %dma_start3A_426, %dma_start3A_427, %dma_start3A_428] : memref<3x2x2x200xi32, #tpu.memory_space<vmem>> -> memref<1x2x2x200xi32, #tpu.memory_space<vmem>>
      %dma_start3A_430 = tpu.memref_squeeze %dma_start3A_429 : memref<1x2x2x200xi32, #tpu.memory_space<vmem>> -> memref<2x2x200xi32, #tpu.memory_space<vmem>>
      %dma_start3A_431 = arith.constant 0 : i32
      %dma_start3A_432 = arith.constant 0 : i32
      %dma_start3A_433 = tpu.memref_slice %arg2[%add3A_149, %dma_start3A_431, %dma_start3A_432] : memref<4096x2x200xi32, #tpu.memory_space<hbm>> -> memref<2x2x200xi32, #tpu.memory_space<hbm>>
      %dma_start3A_434 = arith.constant 0 : i32
      %dma_start3A_435 = arith.constant 0 : i32
      %dma_start3A_436 = arith.constant 0 : i32
      %dma_start3A_437 = tpu.memref_slice %arg6[%run_scoped3A_150, %dma_start3A_434, %dma_start3A_435, %dma_start3A_436] : memref<3x2x2x200xi32, #tpu.memory_space<vmem>> -> memref<1x2x2x200xi32, #tpu.memory_space<vmem>>
      %dma_start3A_438 = tpu.memref_squeeze %dma_start3A_437 : memref<1x2x2x200xi32, #tpu.memory_space<vmem>> -> memref<2x2x200xi32, #tpu.memory_space<vmem>>
      %dma_start3A_439 = arith.constant 0 : i32
      %dma_start3A_440 = arith.constant 0 : i32
      %dma_start3A_441 = tpu.memref_slice %arg2[%add3A_149, %dma_start3A_439, %dma_start3A_440] : memref<4096x2x200xi32, #tpu.memory_space<hbm>> -> memref<2x2x200xi32, #tpu.memory_space<hbm>>
      tpu.enqueue_dma source(%dma_start3A_441 : memref<2x2x200xi32, #tpu.memory_space<hbm>>) target(%dma_start3A_438 : memref<2x2x200xi32, #tpu.memory_space<vmem>>) target_semaphore(%run_scoped3A_425 : memref<!tpu.dma_semaphore, #tpu.memory_space<semaphore_mem>>)
      %dma_wait3A_442 = arith.constant 0 : i32
      %dma_wait3A_443 = arith.constant 0 : i32
      %dma_wait3A_444 = arith.constant 0 : i32
      %dma_wait3A_445 = tpu.memref_slice %arg6[%run_scoped3A_150, %dma_wait3A_442, %dma_wait3A_443, %dma_wait3A_444] : memref<3x2x2x200xi32, #tpu.memory_space<vmem>> -> memref<1x2x2x200xi32, #tpu.memory_space<vmem>>
      %dma_wait3A_446 = tpu.memref_squeeze %dma_wait3A_445 : memref<1x2x2x200xi32, #tpu.memory_space<vmem>> -> memref<2x2x200xi32, #tpu.memory_space<vmem>>
      %dma_wait3A_447 = arith.constant 0 : i32
      %dma_wait3A_448 = arith.constant 0 : i32
      %dma_wait3A_449 = tpu.memref_slice %arg2[%add3A_149, %dma_wait3A_447, %dma_wait3A_448] : memref<4096x2x200xi32, #tpu.memory_space<hbm>> -> memref<2x2x200xi32, #tpu.memory_space<hbm>>
      %dma_wait3A_450 = arith.constant 0 : i32
      %dma_wait3A_451 = arith.constant 0 : i32
      %dma_wait3A_452 = arith.constant 0 : i32
      %dma_wait3A_453 = tpu.memref_slice %arg6[%run_scoped3A_150, %dma_wait3A_450, %dma_wait3A_451, %dma_wait3A_452] : memref<3x2x2x200xi32, #tpu.memory_space<vmem>> -> memref<1x2x2x200xi32, #tpu.memory_space<vmem>>
      %dma_wait3A_454 = tpu.memref_squeeze %dma_wait3A_453 : memref<1x2x2x200xi32, #tpu.memory_space<vmem>> -> memref<2x2x200xi32, #tpu.memory_space<vmem>>
      %dma_wait3A_455 = arith.constant 0 : i32
      %dma_wait3A_456 = arith.constant 0 : i32
      %dma_wait3A_457 = tpu.memref_slice %arg2[%add3A_149, %dma_wait3A_455, %dma_wait3A_456] : memref<4096x2x200xi32, #tpu.memory_space<hbm>> -> memref<2x2x200xi32, #tpu.memory_space<hbm>>
      tpu.wait_dma2 semaphore(%run_scoped3A_425 : memref<!tpu.dma_semaphore, #tpu.memory_space<semaphore_mem>>) src(%dma_wait3A_457 : memref<2x2x200xi32, #tpu.memory_space<hbm>>) dst(%dma_wait3A_454 : memref<2x2x200xi32, #tpu.memory_space<vmem>>)
      tpu.yield
    }) : () -> ()
    %dma_start3A_151 = arith.constant 1 : i32
    %dma_start3A_152 = arith.constant 0 : i32
    %dma_start3A_153 = arith.constant 0 : i32
    %dma_start3A_154 = arith.constant 1 : i32
    %dma_start3A_155 = arith.constant 0 : i32
    %dma_start3A_156 = arith.constant 1 : i32
    %dma_start3A_157 = arith.constant 0 : i32
    %dma_start3A_158 = arith.constant 0 : i32
    %dma_start3A_159 = tpu.memref_slice %arg7[%dma_start3A_154, %dma_start3A_155, %dma_start3A_157, %dma_start3A_158] : memref<3x2x200x32xf32, #tpu.memory_space<vmem>> -> memref<1x1x128x32xf32, #tpu.memory_space<vmem>>
    %dma_start3A_160 = tpu.memref_squeeze %dma_start3A_159 : memref<1x1x128x32xf32, #tpu.memory_space<vmem>> -> memref<128x32xf32, #tpu.memory_space<vmem>>
    %dma_start3A_161 = arith.constant 0 : i32
    %dma_start3A_162 = tpu.memref_slice %arg6[%dma_start3A_151, %dma_start3A_152, %dma_start3A_153, %dma_start3A_161] : memref<3x2x2x200xi32, #tpu.memory_space<vmem>> -> memref<1x1x1x128xi32, #tpu.memory_space<vmem>>
    %dma_start3A_163 = tpu.memref_squeeze %dma_start3A_162 : memref<1x1x1x128xi32, #tpu.memory_space<vmem>> -> memref<128xi32, #tpu.memory_space<vmem>>
    %dma_start3A_164 = arith.constant 0 : i32
    %dma_start3A_165 = arith.constant 0 : i32
    %dma_start3A_166 = tpu.memref_slice %arg3[%dma_start3A_164, %dma_start3A_165] : memref<100001x32xf32, #tpu.memory_space<hbm>> -> memref<100001x32xf32, #tpu.memory_space<hbm>>
    %dma_start3A_167 = tpu.memref_slice %arg9[%dma_start3A_156] : memref<3x!tpu.dma_semaphore, #tpu.memory_space<semaphore_mem>> -> memref<1x!tpu.dma_semaphore, #tpu.memory_space<semaphore_mem>>
    %dma_start3A_168 = tpu.memref_squeeze %dma_start3A_167 : memref<1x!tpu.dma_semaphore, #tpu.memory_space<semaphore_mem>> -> memref<!tpu.dma_semaphore, #tpu.memory_space<semaphore_mem>>
    tpu.enqueue_indirect_dma source(%dma_start3A_166 : memref<100001x32xf32, #tpu.memory_space<hbm>>) target(%dma_start3A_160 : memref<128x32xf32, #tpu.memory_space<vmem>>) offsets(%dma_start3A_163 : memref<128xi32, #tpu.memory_space<vmem>>) semaphore(%dma_start3A_168 : memref<!tpu.dma_semaphore, #tpu.memory_space<semaphore_mem>>)
    %dma_start3A_169 = arith.constant 1 : i32
    %dma_start3A_170 = arith.constant 0 : i32
    %dma_start3A_171 = arith.constant 1 : i32
    %dma_start3A_172 = arith.constant 1 : i32
    %dma_start3A_173 = arith.constant 0 : i32
    %dma_start3A_174 = arith.constant 1 : i32
    %dma_start3A_175 = arith.constant 0 : i32
    %dma_start3A_176 = arith.constant 0 : i32
    %dma_start3A_177 = tpu.memref_slice %arg8[%dma_start3A_172, %dma_start3A_173, %dma_start3A_175, %dma_start3A_176] : memref<3x2x200x32xf32, #tpu.memory_space<vmem>> -> memref<1x1x128x32xf32, #tpu.memory_space<vmem>>
    %dma_start3A_178 = tpu.memref_squeeze %dma_start3A_177 : memref<1x1x128x32xf32, #tpu.memory_space<vmem>> -> memref<128x32xf32, #tpu.memory_space<vmem>>
    %dma_start3A_179 = arith.constant 0 : i32
    %dma_start3A_180 = tpu.memref_slice %arg6[%dma_start3A_169, %dma_start3A_170, %dma_start3A_171, %dma_start3A_179] : memref<3x2x2x200xi32, #tpu.memory_space<vmem>> -> memref<1x1x1x128xi32, #tpu.memory_space<vmem>>
    %dma_start3A_181 = tpu.memref_squeeze %dma_start3A_180 : memref<1x1x1x128xi32, #tpu.memory_space<vmem>> -> memref<128xi32, #tpu.memory_space<vmem>>
    %dma_start3A_182 = arith.constant 0 : i32
    %dma_start3A_183 = arith.constant 0 : i32
    %dma_start3A_184 = tpu.memref_slice %arg4[%dma_start3A_182, %dma_start3A_183] : memref<100001x32xf32, #tpu.memory_space<hbm>> -> memref<100001x32xf32, #tpu.memory_space<hbm>>
    %dma_start3A_185 = tpu.memref_slice %arg9[%dma_start3A_174] : memref<3x!tpu.dma_semaphore, #tpu.memory_space<semaphore_mem>> -> memref<1x!tpu.dma_semaphore, #tpu.memory_space<semaphore_mem>>
    %dma_start3A_186 = tpu.memref_squeeze %dma_start3A_185 : memref<1x!tpu.dma_semaphore, #tpu.memory_space<semaphore_mem>> -> memref<!tpu.dma_semaphore, #tpu.memory_space<semaphore_mem>>
    tpu.enqueue_indirect_dma source(%dma_start3A_184 : memref<100001x32xf32, #tpu.memory_space<hbm>>) target(%dma_start3A_178 : memref<128x32xf32, #tpu.memory_space<vmem>>) offsets(%dma_start3A_181 : memref<128xi32, #tpu.memory_space<vmem>>) semaphore(%dma_start3A_186 : memref<!tpu.dma_semaphore, #tpu.memory_space<semaphore_mem>>)
    %dma_start3A_187 = arith.constant 1 : i32
    %dma_start3A_188 = arith.constant 0 : i32
    %dma_start3A_189 = arith.constant 0 : i32
    %dma_start3A_190 = arith.constant 1 : i32
    %dma_start3A_191 = arith.constant 0 : i32
    %dma_start3A_192 = arith.constant 1 : i32
    %dma_start3A_193 = arith.constant 128 : i32
    %dma_start3A_194 = arith.constant 0 : i32
    %dma_start3A_195 = tpu.memref_slice %arg7[%dma_start3A_190, %dma_start3A_191, %dma_start3A_193, %dma_start3A_194] : memref<3x2x200x32xf32, #tpu.memory_space<vmem>> -> memref<1x1x72x32xf32, #tpu.memory_space<vmem>>
    %dma_start3A_196 = tpu.memref_squeeze %dma_start3A_195 : memref<1x1x72x32xf32, #tpu.memory_space<vmem>> -> memref<72x32xf32, #tpu.memory_space<vmem>>
    %dma_start3A_197 = arith.constant 128 : i32
    %dma_start3A_198 = tpu.memref_slice %arg6[%dma_start3A_187, %dma_start3A_188, %dma_start3A_189, %dma_start3A_197] : memref<3x2x2x200xi32, #tpu.memory_space<vmem>> -> memref<1x1x1x72xi32, #tpu.memory_space<vmem>>
    %dma_start3A_199 = tpu.memref_squeeze %dma_start3A_198 : memref<1x1x1x72xi32, #tpu.memory_space<vmem>> -> memref<72xi32, #tpu.memory_space<vmem>>
    %dma_start3A_200 = arith.constant 0 : i32
    %dma_start3A_201 = arith.constant 0 : i32
    %dma_start3A_202 = tpu.memref_slice %arg3[%dma_start3A_200, %dma_start3A_201] : memref<100001x32xf32, #tpu.memory_space<hbm>> -> memref<100001x32xf32, #tpu.memory_space<hbm>>
    %dma_start3A_203 = tpu.memref_slice %arg9[%dma_start3A_192] : memref<3x!tpu.dma_semaphore, #tpu.memory_space<semaphore_mem>> -> memref<1x!tpu.dma_semaphore, #tpu.memory_space<semaphore_mem>>
    %dma_start3A_204 = tpu.memref_squeeze %dma_start3A_203 : memref<1x!tpu.dma_semaphore, #tpu.memory_space<semaphore_mem>> -> memref<!tpu.dma_semaphore, #tpu.memory_space<semaphore_mem>>
    tpu.enqueue_indirect_dma source(%dma_start3A_202 : memref<100001x32xf32, #tpu.memory_space<hbm>>) target(%dma_start3A_196 : memref<72x32xf32, #tpu.memory_space<vmem>>) offsets(%dma_start3A_199 : memref<72xi32, #tpu.memory_space<vmem>>) semaphore(%dma_start3A_204 : memref<!tpu.dma_semaphore, #tpu.memory_space<semaphore_mem>>)
    %dma_start3A_205 = arith.constant 1 : i32
    %dma_start3A_206 = arith.constant 0 : i32
    %dma_start3A_207 = arith.constant 1 : i32
    %dma_start3A_208 = arith.constant 1 : i32
    %dma_start3A_209 = arith.constant 0 : i32
    %dma_start3A_210 = arith.constant 1 : i32
    %dma_start3A_211 = arith.constant 128 : i32
    %dma_start3A_212 = arith.constant 0 : i32
    %dma_start3A_213 = tpu.memref_slice %arg8[%dma_start3A_208, %dma_start3A_209, %dma_start3A_211, %dma_start3A_212] : memref<3x2x200x32xf32, #tpu.memory_space<vmem>> -> memref<1x1x72x32xf32, #tpu.memory_space<vmem>>
    %dma_start3A_214 = tpu.memref_squeeze %dma_start3A_213 : memref<1x1x72x32xf32, #tpu.memory_space<vmem>> -> memref<72x32xf32, #tpu.memory_space<vmem>>
    %dma_start3A_215 = arith.constant 128 : i32
    %dma_start3A_216 = tpu.memref_slice %arg6[%dma_start3A_205, %dma_start3A_206, %dma_start3A_207, %dma_start3A_215] : memref<3x2x2x200xi32, #tpu.memory_space<vmem>> -> memref<1x1x1x72xi32, #tpu.memory_space<vmem>>
    %dma_start3A_217 = tpu.memref_squeeze %dma_start3A_216 : memref<1x1x1x72xi32, #tpu.memory_space<vmem>> -> memref<72xi32, #tpu.memory_space<vmem>>
    %dma_start3A_218 = arith.constant 0 : i32
    %dma_start3A_219 = arith.constant 0 : i32
    %dma_start3A_220 = tpu.memref_slice %arg4[%dma_start3A_218, %dma_start3A_219] : memref<100001x32xf32, #tpu.memory_space<hbm>> -> memref<100001x32xf32, #tpu.memory_space<hbm>>
    %dma_start3A_221 = tpu.memref_slice %arg9[%dma_start3A_210] : memref<3x!tpu.dma_semaphore, #tpu.memory_space<semaphore_mem>> -> memref<1x!tpu.dma_semaphore, #tpu.memory_space<semaphore_mem>>
    %dma_start3A_222 = tpu.memref_squeeze %dma_start3A_221 : memref<1x!tpu.dma_semaphore, #tpu.memory_space<semaphore_mem>> -> memref<!tpu.dma_semaphore, #tpu.memory_space<semaphore_mem>>
    tpu.enqueue_indirect_dma source(%dma_start3A_220 : memref<100001x32xf32, #tpu.memory_space<hbm>>) target(%dma_start3A_214 : memref<72x32xf32, #tpu.memory_space<vmem>>) offsets(%dma_start3A_217 : memref<72xi32, #tpu.memory_space<vmem>>) semaphore(%dma_start3A_222 : memref<!tpu.dma_semaphore, #tpu.memory_space<semaphore_mem>>)
    %dma_start3A_223 = arith.constant 1 : i32
    %dma_start3A_224 = arith.constant 1 : i32
    %dma_start3A_225 = arith.constant 0 : i32
    %dma_start3A_226 = arith.constant 1 : i32
    %dma_start3A_227 = arith.constant 1 : i32
    %dma_start3A_228 = arith.constant 1 : i32
    %dma_start3A_229 = arith.constant 0 : i32
    %dma_start3A_230 = arith.constant 0 : i32
    %dma_start3A_231 = tpu.memref_slice %arg7[%dma_start3A_226, %dma_start3A_227, %dma_start3A_229, %dma_start3A_230] : memref<3x2x200x32xf32, #tpu.memory_space<vmem>> -> memref<1x1x128x32xf32, #tpu.memory_space<vmem>>
    %dma_start3A_232 = tpu.memref_squeeze %dma_start3A_231 : memref<1x1x128x32xf32, #tpu.memory_space<vmem>> -> memref<128x32xf32, #tpu.memory_space<vmem>>
    %dma_start3A_233 = arith.constant 0 : i32
    %dma_start3A_234 = tpu.memref_slice %arg6[%dma_start3A_223, %dma_start3A_224, %dma_start3A_225, %dma_start3A_233] : memref<3x2x2x200xi32, #tpu.memory_space<vmem>> -> memref<1x1x1x128xi32, #tpu.memory_space<vmem>>
    %dma_start3A_235 = tpu.memref_squeeze %dma_start3A_234 : memref<1x1x1x128xi32, #tpu.memory_space<vmem>> -> memref<128xi32, #tpu.memory_space<vmem>>
    %dma_start3A_236 = arith.constant 0 : i32
    %dma_start3A_237 = arith.constant 0 : i32
    %dma_start3A_238 = tpu.memref_slice %arg3[%dma_start3A_236, %dma_start3A_237] : memref<100001x32xf32, #tpu.memory_space<hbm>> -> memref<100001x32xf32, #tpu.memory_space<hbm>>
    %dma_start3A_239 = tpu.memref_slice %arg9[%dma_start3A_228] : memref<3x!tpu.dma_semaphore, #tpu.memory_space<semaphore_mem>> -> memref<1x!tpu.dma_semaphore, #tpu.memory_space<semaphore_mem>>
    %dma_start3A_240 = tpu.memref_squeeze %dma_start3A_239 : memref<1x!tpu.dma_semaphore, #tpu.memory_space<semaphore_mem>> -> memref<!tpu.dma_semaphore, #tpu.memory_space<semaphore_mem>>
    tpu.enqueue_indirect_dma source(%dma_start3A_238 : memref<100001x32xf32, #tpu.memory_space<hbm>>) target(%dma_start3A_232 : memref<128x32xf32, #tpu.memory_space<vmem>>) offsets(%dma_start3A_235 : memref<128xi32, #tpu.memory_space<vmem>>) semaphore(%dma_start3A_240 : memref<!tpu.dma_semaphore, #tpu.memory_space<semaphore_mem>>)
    %dma_start3A_241 = arith.constant 1 : i32
    %dma_start3A_242 = arith.constant 1 : i32
    %dma_start3A_243 = arith.constant 1 : i32
    %dma_start3A_244 = arith.constant 1 : i32
    %dma_start3A_245 = arith.constant 1 : i32
    %dma_start3A_246 = arith.constant 1 : i32
    %dma_start3A_247 = arith.constant 0 : i32
    %dma_start3A_248 = arith.constant 0 : i32
    %dma_start3A_249 = tpu.memref_slice %arg8[%dma_start3A_244, %dma_start3A_245, %dma_start3A_247, %dma_start3A_248] : memref<3x2x200x32xf32, #tpu.memory_space<vmem>> -> memref<1x1x128x32xf32, #tpu.memory_space<vmem>>
    %dma_start3A_250 = tpu.memref_squeeze %dma_start3A_249 : memref<1x1x128x32xf32, #tpu.memory_space<vmem>> -> memref<128x32xf32, #tpu.memory_space<vmem>>
    %dma_start3A_251 = arith.constant 0 : i32
    %dma_start3A_252 = tpu.memref_slice %arg6[%dma_start3A_241, %dma_start3A_242, %dma_start3A_243, %dma_start3A_251] : memref<3x2x2x200xi32, #tpu.memory_space<vmem>> -> memref<1x1x1x128xi32, #tpu.memory_space<vmem>>
    %dma_start3A_253 = tpu.memref_squeeze %dma_start3A_252 : memref<1x1x1x128xi32, #tpu.memory_space<vmem>> -> memref<128xi32, #tpu.memory_space<vmem>>
    %dma_start3A_254 = arith.constant 0 : i32
    %dma_start3A_255 = arith.constant 0 : i32
    %dma_start3A_256 = tpu.memref_slice %arg4[%dma_start3A_254, %dma_start3A_255] : memref<100001x32xf32, #tpu.memory_space<hbm>> -> memref<100001x32xf32, #tpu.memory_space<hbm>>
    %dma_start3A_257 = tpu.memref_slice %arg9[%dma_start3A_246] : memref<3x!tpu.dma_semaphore, #tpu.memory_space<semaphore_mem>> -> memref<1x!tpu.dma_semaphore, #tpu.memory_space<semaphore_mem>>
    %dma_start3A_258 = tpu.memref_squeeze %dma_start3A_257 : memref<1x!tpu.dma_semaphore, #tpu.memory_space<semaphore_mem>> -> memref<!tpu.dma_semaphore, #tpu.memory_space<semaphore_mem>>
    tpu.enqueue_indirect_dma source(%dma_start3A_256 : memref<100001x32xf32, #tpu.memory_space<hbm>>) target(%dma_start3A_250 : memref<128x32xf32, #tpu.memory_space<vmem>>) offsets(%dma_start3A_253 : memref<128xi32, #tpu.memory_space<vmem>>) semaphore(%dma_start3A_258 : memref<!tpu.dma_semaphore, #tpu.memory_space<semaphore_mem>>)
    %dma_start3A_259 = arith.constant 1 : i32
    %dma_start3A_260 = arith.constant 1 : i32
    %dma_start3A_261 = arith.constant 0 : i32
    %dma_start3A_262 = arith.constant 1 : i32
    %dma_start3A_263 = arith.constant 1 : i32
    %dma_start3A_264 = arith.constant 1 : i32
    %dma_start3A_265 = arith.constant 128 : i32
    %dma_start3A_266 = arith.constant 0 : i32
    %dma_start3A_267 = tpu.memref_slice %arg7[%dma_start3A_262, %dma_start3A_263, %dma_start3A_265, %dma_start3A_266] : memref<3x2x200x32xf32, #tpu.memory_space<vmem>> -> memref<1x1x72x32xf32, #tpu.memory_space<vmem>>
    %dma_start3A_268 = tpu.memref_squeeze %dma_start3A_267 : memref<1x1x72x32xf32, #tpu.memory_space<vmem>> -> memref<72x32xf32, #tpu.memory_space<vmem>>
    %dma_start3A_269 = arith.constant 128 : i32
    %dma_start3A_270 = tpu.memref_slice %arg6[%dma_start3A_259, %dma_start3A_260, %dma_start3A_261, %dma_start3A_269] : memref<3x2x2x200xi32, #tpu.memory_space<vmem>> -> memref<1x1x1x72xi32, #tpu.memory_space<vmem>>
    %dma_start3A_271 = tpu.memref_squeeze %dma_start3A_270 : memref<1x1x1x72xi32, #tpu.memory_space<vmem>> -> memref<72xi32, #tpu.memory_space<vmem>>
    %dma_start3A_272 = arith.constant 0 : i32
    %dma_start3A_273 = arith.constant 0 : i32
    %dma_start3A_274 = tpu.memref_slice %arg3[%dma_start3A_272, %dma_start3A_273] : memref<100001x32xf32, #tpu.memory_space<hbm>> -> memref<100001x32xf32, #tpu.memory_space<hbm>>
    %dma_start3A_275 = tpu.memref_slice %arg9[%dma_start3A_264] : memref<3x!tpu.dma_semaphore, #tpu.memory_space<semaphore_mem>> -> memref<1x!tpu.dma_semaphore, #tpu.memory_space<semaphore_mem>>
    %dma_start3A_276 = tpu.memref_squeeze %dma_start3A_275 : memref<1x!tpu.dma_semaphore, #tpu.memory_space<semaphore_mem>> -> memref<!tpu.dma_semaphore, #tpu.memory_space<semaphore_mem>>
    tpu.enqueue_indirect_dma source(%dma_start3A_274 : memref<100001x32xf32, #tpu.memory_space<hbm>>) target(%dma_start3A_268 : memref<72x32xf32, #tpu.memory_space<vmem>>) offsets(%dma_start3A_271 : memref<72xi32, #tpu.memory_space<vmem>>) semaphore(%dma_start3A_276 : memref<!tpu.dma_semaphore, #tpu.memory_space<semaphore_mem>>)
    %dma_start3A_277 = arith.constant 1 : i32
    %dma_start3A_278 = arith.constant 1 : i32
    %dma_start3A_279 = arith.constant 1 : i32
    %dma_start3A_280 = arith.constant 1 : i32
    %dma_start3A_281 = arith.constant 1 : i32
    %dma_start3A_282 = arith.constant 1 : i32
    %dma_start3A_283 = arith.constant 128 : i32
    %dma_start3A_284 = arith.constant 0 : i32
    %dma_start3A_285 = tpu.memref_slice %arg8[%dma_start3A_280, %dma_start3A_281, %dma_start3A_283, %dma_start3A_284] : memref<3x2x200x32xf32, #tpu.memory_space<vmem>> -> memref<1x1x72x32xf32, #tpu.memory_space<vmem>>
    %dma_start3A_286 = tpu.memref_squeeze %dma_start3A_285 : memref<1x1x72x32xf32, #tpu.memory_space<vmem>> -> memref<72x32xf32, #tpu.memory_space<vmem>>
    %dma_start3A_287 = arith.constant 128 : i32
    %dma_start3A_288 = tpu.memref_slice %arg6[%dma_start3A_277, %dma_start3A_278, %dma_start3A_279, %dma_start3A_287] : memref<3x2x2x200xi32, #tpu.memory_space<vmem>> -> memref<1x1x1x72xi32, #tpu.memory_space<vmem>>
    %dma_start3A_289 = tpu.memref_squeeze %dma_start3A_288 : memref<1x1x1x72xi32, #tpu.memory_space<vmem>> -> memref<72xi32, #tpu.memory_space<vmem>>
    %dma_start3A_290 = arith.constant 0 : i32
    %dma_start3A_291 = arith.constant 0 : i32
    %dma_start3A_292 = tpu.memref_slice %arg4[%dma_start3A_290, %dma_start3A_291] : memref<100001x32xf32, #tpu.memory_space<hbm>> -> memref<100001x32xf32, #tpu.memory_space<hbm>>
    %dma_start3A_293 = tpu.memref_slice %arg9[%dma_start3A_282] : memref<3x!tpu.dma_semaphore, #tpu.memory_space<semaphore_mem>> -> memref<1x!tpu.dma_semaphore, #tpu.memory_space<semaphore_mem>>
    %dma_start3A_294 = tpu.memref_squeeze %dma_start3A_293 : memref<1x!tpu.dma_semaphore, #tpu.memory_space<semaphore_mem>> -> memref<!tpu.dma_semaphore, #tpu.memory_space<semaphore_mem>>
    tpu.enqueue_indirect_dma source(%dma_start3A_292 : memref<100001x32xf32, #tpu.memory_space<hbm>>) target(%dma_start3A_286 : memref<72x32xf32, #tpu.memory_space<vmem>>) offsets(%dma_start3A_289 : memref<72xi32, #tpu.memory_space<vmem>>) semaphore(%dma_start3A_294 : memref<!tpu.dma_semaphore, #tpu.memory_space<semaphore_mem>>)
    %scan3A = arith.constant 0 : i32
    %scan3A_295 = arith.constant 0 : i32
    %scan3A_296 = arith.constant 64 : i32
    %scan3A_297 = arith.addi %scan3A_295, %scan3A_296 : i32
    %scan3A_298 = arith.constant 1 : i32
    scf.for %scan3A_425 = %scan3A_295 to %scan3A_297 step %scan3A_298  : i32 {
      %rem3A = arith.constant 3 : i32
      %rem3A_426 = arith.remsi %scan3A_425, %rem3A : i32
      %dma_wait3A_427 = arith.constant 0 : i32
      %dma_wait3A_428 = arith.constant 0 : i32
      %dma_wait3A_429 = arith.constant 0 : i32
      %dma_wait3A_430 = arith.constant 0 : i32
      %dma_wait3A_431 = arith.constant 0 : i32
      %dma_wait3A_432 = tpu.memref_slice %arg7[%rem3A_426, %dma_wait3A_429, %dma_wait3A_430, %dma_wait3A_431] : memref<3x2x200x32xf32, #tpu.memory_space<vmem>> -> memref<1x1x128x32xf32, #tpu.memory_space<vmem>>
      %dma_wait3A_433 = tpu.memref_squeeze %dma_wait3A_432 : memref<1x1x128x32xf32, #tpu.memory_space<vmem>> -> memref<128x32xf32, #tpu.memory_space<vmem>>
      %dma_wait3A_434 = arith.constant 0 : i32
      %dma_wait3A_435 = tpu.memref_slice %arg6[%rem3A_426, %dma_wait3A_427, %dma_wait3A_428, %dma_wait3A_434] : memref<3x2x2x200xi32, #tpu.memory_space<vmem>> -> memref<1x1x1x128xi32, #tpu.memory_space<vmem>>
      %dma_wait3A_436 = tpu.memref_squeeze %dma_wait3A_435 : memref<1x1x1x128xi32, #tpu.memory_space<vmem>> -> memref<128xi32, #tpu.memory_space<vmem>>
      %dma_wait3A_437 = arith.constant 0 : i32
      %dma_wait3A_438 = arith.constant 0 : i32
      %dma_wait3A_439 = tpu.memref_slice %arg3[%dma_wait3A_437, %dma_wait3A_438] : memref<100001x32xf32, #tpu.memory_space<hbm>> -> memref<100001x32xf32, #tpu.memory_space<hbm>>
      %dma_wait3A_440 = tpu.memref_slice %arg9[%rem3A_426] : memref<3x!tpu.dma_semaphore, #tpu.memory_space<semaphore_mem>> -> memref<1x!tpu.dma_semaphore, #tpu.memory_space<semaphore_mem>>
      %dma_wait3A_441 = tpu.memref_squeeze %dma_wait3A_440 : memref<1x!tpu.dma_semaphore, #tpu.memory_space<semaphore_mem>> -> memref<!tpu.dma_semaphore, #tpu.memory_space<semaphore_mem>>
      tpu.wait_indirect_dma semaphore(%dma_wait3A_441 : memref<!tpu.dma_semaphore, #tpu.memory_space<semaphore_mem>>) src(%dma_wait3A_439 : memref<100001x32xf32, #tpu.memory_space<hbm>>) dst(%dma_wait3A_433 : memref<128x32xf32, #tpu.memory_space<vmem>>)
      %dma_wait3A_442 = arith.constant 0 : i32
      %dma_wait3A_443 = arith.constant 1 : i32
      %dma_wait3A_444 = arith.constant 0 : i32
      %dma_wait3A_445 = arith.constant 0 : i32
      %dma_wait3A_446 = arith.constant 0 : i32
      %dma_wait3A_447 = tpu.memref_slice %arg8[%rem3A_426, %dma_wait3A_444, %dma_wait3A_445, %dma_wait3A_446] : memref<3x2x200x32xf32, #tpu.memory_space<vmem>> -> memref<1x1x128x32xf32, #tpu.memory_space<vmem>>
      %dma_wait3A_448 = tpu.memref_squeeze %dma_wait3A_447 : memref<1x1x128x32xf32, #tpu.memory_space<vmem>> -> memref<128x32xf32, #tpu.memory_space<vmem>>
      %dma_wait3A_449 = arith.constant 0 : i32
      %dma_wait3A_450 = tpu.memref_slice %arg6[%rem3A_426, %dma_wait3A_442, %dma_wait3A_443, %dma_wait3A_449] : memref<3x2x2x200xi32, #tpu.memory_space<vmem>> -> memref<1x1x1x128xi32, #tpu.memory_space<vmem>>
      %dma_wait3A_451 = tpu.memref_squeeze %dma_wait3A_450 : memref<1x1x1x128xi32, #tpu.memory_space<vmem>> -> memref<128xi32, #tpu.memory_space<vmem>>
      %dma_wait3A_452 = arith.constant 0 : i32
      %dma_wait3A_453 = arith.constant 0 : i32
      %dma_wait3A_454 = tpu.memref_slice %arg4[%dma_wait3A_452, %dma_wait3A_453] : memref<100001x32xf32, #tpu.memory_space<hbm>> -> memref<100001x32xf32, #tpu.memory_space<hbm>>
      %dma_wait3A_455 = tpu.memref_slice %arg9[%rem3A_426] : memref<3x!tpu.dma_semaphore, #tpu.memory_space<semaphore_mem>> -> memref<1x!tpu.dma_semaphore, #tpu.memory_space<semaphore_mem>>
      %dma_wait3A_456 = tpu.memref_squeeze %dma_wait3A_455 : memref<1x!tpu.dma_semaphore, #tpu.memory_space<semaphore_mem>> -> memref<!tpu.dma_semaphore, #tpu.memory_space<semaphore_mem>>
      tpu.wait_indirect_dma semaphore(%dma_wait3A_456 : memref<!tpu.dma_semaphore, #tpu.memory_space<semaphore_mem>>) src(%dma_wait3A_454 : memref<100001x32xf32, #tpu.memory_space<hbm>>) dst(%dma_wait3A_448 : memref<128x32xf32, #tpu.memory_space<vmem>>)
      %dma_wait3A_457 = arith.constant 0 : i32
      %dma_wait3A_458 = arith.constant 0 : i32
      %dma_wait3A_459 = arith.constant 0 : i32
      %dma_wait3A_460 = arith.constant 128 : i32
      %dma_wait3A_461 = arith.constant 0 : i32
      %dma_wait3A_462 = tpu.memref_slice %arg7[%rem3A_426, %dma_wait3A_459, %dma_wait3A_460, %dma_wait3A_461] : memref<3x2x200x32xf32, #tpu.memory_space<vmem>> -> memref<1x1x72x32xf32, #tpu.memory_space<vmem>>
      %dma_wait3A_463 = tpu.memref_squeeze %dma_wait3A_462 : memref<1x1x72x32xf32, #tpu.memory_space<vmem>> -> memref<72x32xf32, #tpu.memory_space<vmem>>
      %dma_wait3A_464 = arith.constant 128 : i32
      %dma_wait3A_465 = tpu.memref_slice %arg6[%rem3A_426, %dma_wait3A_457, %dma_wait3A_458, %dma_wait3A_464] : memref<3x2x2x200xi32, #tpu.memory_space<vmem>> -> memref<1x1x1x72xi32, #tpu.memory_space<vmem>>
      %dma_wait3A_466 = tpu.memref_squeeze %dma_wait3A_465 : memref<1x1x1x72xi32, #tpu.memory_space<vmem>> -> memref<72xi32, #tpu.memory_space<vmem>>
      %dma_wait3A_467 = arith.constant 0 : i32
      %dma_wait3A_468 = arith.constant 0 : i32
      %dma_wait3A_469 = tpu.memref_slice %arg3[%dma_wait3A_467, %dma_wait3A_468] : memref<100001x32xf32, #tpu.memory_space<hbm>> -> memref<100001x32xf32, #tpu.memory_space<hbm>>
      %dma_wait3A_470 = tpu.memref_slice %arg9[%rem3A_426] : memref<3x!tpu.dma_semaphore, #tpu.memory_space<semaphore_mem>> -> memref<1x!tpu.dma_semaphore, #tpu.memory_space<semaphore_mem>>
      %dma_wait3A_471 = tpu.memref_squeeze %dma_wait3A_470 : memref<1x!tpu.dma_semaphore, #tpu.memory_space<semaphore_mem>> -> memref<!tpu.dma_semaphore, #tpu.memory_space<semaphore_mem>>
      tpu.wait_indirect_dma semaphore(%dma_wait3A_471 : memref<!tpu.dma_semaphore, #tpu.memory_space<semaphore_mem>>) src(%dma_wait3A_469 : memref<100001x32xf32, #tpu.memory_space<hbm>>) dst(%dma_wait3A_463 : memref<72x32xf32, #tpu.memory_space<vmem>>)
      %dma_wait3A_472 = arith.constant 0 : i32
      %dma_wait3A_473 = arith.constant 1 : i32
      %dma_wait3A_474 = arith.constant 0 : i32
      %dma_wait3A_475 = arith.constant 128 : i32
      %dma_wait3A_476 = arith.constant 0 : i32
      %dma_wait3A_477 = tpu.memref_slice %arg8[%rem3A_426, %dma_wait3A_474, %dma_wait3A_475, %dma_wait3A_476] : memref<3x2x200x32xf32, #tpu.memory_space<vmem>> -> memref<1x1x72x32xf32, #tpu.memory_space<vmem>>
      %dma_wait3A_478 = tpu.memref_squeeze %dma_wait3A_477 : memref<1x1x72x32xf32, #tpu.memory_space<vmem>> -> memref<72x32xf32, #tpu.memory_space<vmem>>
      %dma_wait3A_479 = arith.constant 128 : i32
      %dma_wait3A_480 = tpu.memref_slice %arg6[%rem3A_426, %dma_wait3A_472, %dma_wait3A_473, %dma_wait3A_479] : memref<3x2x2x200xi32, #tpu.memory_space<vmem>> -> memref<1x1x1x72xi32, #tpu.memory_space<vmem>>
      %dma_wait3A_481 = tpu.memref_squeeze %dma_wait3A_480 : memref<1x1x1x72xi32, #tpu.memory_space<vmem>> -> memref<72xi32, #tpu.memory_space<vmem>>
      %dma_wait3A_482 = arith.constant 0 : i32
      %dma_wait3A_483 = arith.constant 0 : i32
      %dma_wait3A_484 = tpu.memref_slice %arg4[%dma_wait3A_482, %dma_wait3A_483] : memref<100001x32xf32, #tpu.memory_space<hbm>> -> memref<100001x32xf32, #tpu.memory_space<hbm>>
      %dma_wait3A_485 = tpu.memref_slice %arg9[%rem3A_426] : memref<3x!tpu.dma_semaphore, #tpu.memory_space<semaphore_mem>> -> memref<1x!tpu.dma_semaphore, #tpu.memory_space<semaphore_mem>>
      %dma_wait3A_486 = tpu.memref_squeeze %dma_wait3A_485 : memref<1x!tpu.dma_semaphore, #tpu.memory_space<semaphore_mem>> -> memref<!tpu.dma_semaphore, #tpu.memory_space<semaphore_mem>>
      tpu.wait_indirect_dma semaphore(%dma_wait3A_486 : memref<!tpu.dma_semaphore, #tpu.memory_space<semaphore_mem>>) src(%dma_wait3A_484 : memref<100001x32xf32, #tpu.memory_space<hbm>>) dst(%dma_wait3A_478 : memref<72x32xf32, #tpu.memory_space<vmem>>)
      %dma_wait3A_487 = arith.constant 1 : i32
      %dma_wait3A_488 = arith.constant 0 : i32
      %dma_wait3A_489 = arith.constant 1 : i32
      %dma_wait3A_490 = arith.constant 0 : i32
      %dma_wait3A_491 = arith.constant 0 : i32
      %dma_wait3A_492 = tpu.memref_slice %arg7[%rem3A_426, %dma_wait3A_489, %dma_wait3A_490, %dma_wait3A_491] : memref<3x2x200x32xf32, #tpu.memory_space<vmem>> -> memref<1x1x128x32xf32, #tpu.memory_space<vmem>>
      %dma_wait3A_493 = tpu.memref_squeeze %dma_wait3A_492 : memref<1x1x128x32xf32, #tpu.memory_space<vmem>> -> memref<128x32xf32, #tpu.memory_space<vmem>>
      %dma_wait3A_494 = arith.constant 0 : i32
      %dma_wait3A_495 = tpu.memref_slice %arg6[%rem3A_426, %dma_wait3A_487, %dma_wait3A_488, %dma_wait3A_494] : memref<3x2x2x200xi32, #tpu.memory_space<vmem>> -> memref<1x1x1x128xi32, #tpu.memory_space<vmem>>
      %dma_wait3A_496 = tpu.memref_squeeze %dma_wait3A_495 : memref<1x1x1x128xi32, #tpu.memory_space<vmem>> -> memref<128xi32, #tpu.memory_space<vmem>>
      %dma_wait3A_497 = arith.constant 0 : i32
      %dma_wait3A_498 = arith.constant 0 : i32
      %dma_wait3A_499 = tpu.memref_slice %arg3[%dma_wait3A_497, %dma_wait3A_498] : memref<100001x32xf32, #tpu.memory_space<hbm>> -> memref<100001x32xf32, #tpu.memory_space<hbm>>
      %dma_wait3A_500 = tpu.memref_slice %arg9[%rem3A_426] : memref<3x!tpu.dma_semaphore, #tpu.memory_space<semaphore_mem>> -> memref<1x!tpu.dma_semaphore, #tpu.memory_space<semaphore_mem>>
      %dma_wait3A_501 = tpu.memref_squeeze %dma_wait3A_500 : memref<1x!tpu.dma_semaphore, #tpu.memory_space<semaphore_mem>> -> memref<!tpu.dma_semaphore, #tpu.memory_space<semaphore_mem>>
      tpu.wait_indirect_dma semaphore(%dma_wait3A_501 : memref<!tpu.dma_semaphore, #tpu.memory_space<semaphore_mem>>) src(%dma_wait3A_499 : memref<100001x32xf32, #tpu.memory_space<hbm>>) dst(%dma_wait3A_493 : memref<128x32xf32, #tpu.memory_space<vmem>>)
      %dma_wait3A_502 = arith.constant 1 : i32
      %dma_wait3A_503 = arith.constant 1 : i32
      %dma_wait3A_504 = arith.constant 1 : i32
      %dma_wait3A_505 = arith.constant 0 : i32
      %dma_wait3A_506 = arith.constant 0 : i32
      %dma_wait3A_507 = tpu.memref_slice %arg8[%rem3A_426, %dma_wait3A_504, %dma_wait3A_505, %dma_wait3A_506] : memref<3x2x200x32xf32, #tpu.memory_space<vmem>> -> memref<1x1x128x32xf32, #tpu.memory_space<vmem>>
      %dma_wait3A_508 = tpu.memref_squeeze %dma_wait3A_507 : memref<1x1x128x32xf32, #tpu.memory_space<vmem>> -> memref<128x32xf32, #tpu.memory_space<vmem>>
      %dma_wait3A_509 = arith.constant 0 : i32
      %dma_wait3A_510 = tpu.memref_slice %arg6[%rem3A_426, %dma_wait3A_502, %dma_wait3A_503, %dma_wait3A_509] : memref<3x2x2x200xi32, #tpu.memory_space<vmem>> -> memref<1x1x1x128xi32, #tpu.memory_space<vmem>>
      %dma_wait3A_511 = tpu.memref_squeeze %dma_wait3A_510 : memref<1x1x1x128xi32, #tpu.memory_space<vmem>> -> memref<128xi32, #tpu.memory_space<vmem>>
      %dma_wait3A_512 = arith.constant 0 : i32
      %dma_wait3A_513 = arith.constant 0 : i32
      %dma_wait3A_514 = tpu.memref_slice %arg4[%dma_wait3A_512, %dma_wait3A_513] : memref<100001x32xf32, #tpu.memory_space<hbm>> -> memref<100001x32xf32, #tpu.memory_space<hbm>>
      %dma_wait3A_515 = tpu.memref_slice %arg9[%rem3A_426] : memref<3x!tpu.dma_semaphore, #tpu.memory_space<semaphore_mem>> -> memref<1x!tpu.dma_semaphore, #tpu.memory_space<semaphore_mem>>
      %dma_wait3A_516 = tpu.memref_squeeze %dma_wait3A_515 : memref<1x!tpu.dma_semaphore, #tpu.memory_space<semaphore_mem>> -> memref<!tpu.dma_semaphore, #tpu.memory_space<semaphore_mem>>
      tpu.wait_indirect_dma semaphore(%dma_wait3A_516 : memref<!tpu.dma_semaphore, #tpu.memory_space<semaphore_mem>>) src(%dma_wait3A_514 : memref<100001x32xf32, #tpu.memory_space<hbm>>) dst(%dma_wait3A_508 : memref<128x32xf32, #tpu.memory_space<vmem>>)
      %dma_wait3A_517 = arith.constant 1 : i32
      %dma_wait3A_518 = arith.constant 0 : i32
      %dma_wait3A_519 = arith.constant 1 : i32
      %dma_wait3A_520 = arith.constant 128 : i32
      %dma_wait3A_521 = arith.constant 0 : i32
      %dma_wait3A_522 = tpu.memref_slice %arg7[%rem3A_426, %dma_wait3A_519, %dma_wait3A_520, %dma_wait3A_521] : memref<3x2x200x32xf32, #tpu.memory_space<vmem>> -> memref<1x1x72x32xf32, #tpu.memory_space<vmem>>
      %dma_wait3A_523 = tpu.memref_squeeze %dma_wait3A_522 : memref<1x1x72x32xf32, #tpu.memory_space<vmem>> -> memref<72x32xf32, #tpu.memory_space<vmem>>
      %dma_wait3A_524 = arith.constant 128 : i32
      %dma_wait3A_525 = tpu.memref_slice %arg6[%rem3A_426, %dma_wait3A_517, %dma_wait3A_518, %dma_wait3A_524] : memref<3x2x2x200xi32, #tpu.memory_space<vmem>> -> memref<1x1x1x72xi32, #tpu.memory_space<vmem>>
      %dma_wait3A_526 = tpu.memref_squeeze %dma_wait3A_525 : memref<1x1x1x72xi32, #tpu.memory_space<vmem>> -> memref<72xi32, #tpu.memory_space<vmem>>
      %dma_wait3A_527 = arith.constant 0 : i32
      %dma_wait3A_528 = arith.constant 0 : i32
      %dma_wait3A_529 = tpu.memref_slice %arg3[%dma_wait3A_527, %dma_wait3A_528] : memref<100001x32xf32, #tpu.memory_space<hbm>> -> memref<100001x32xf32, #tpu.memory_space<hbm>>
      %dma_wait3A_530 = tpu.memref_slice %arg9[%rem3A_426] : memref<3x!tpu.dma_semaphore, #tpu.memory_space<semaphore_mem>> -> memref<1x!tpu.dma_semaphore, #tpu.memory_space<semaphore_mem>>
      %dma_wait3A_531 = tpu.memref_squeeze %dma_wait3A_530 : memref<1x!tpu.dma_semaphore, #tpu.memory_space<semaphore_mem>> -> memref<!tpu.dma_semaphore, #tpu.memory_space<semaphore_mem>>
      tpu.wait_indirect_dma semaphore(%dma_wait3A_531 : memref<!tpu.dma_semaphore, #tpu.memory_space<semaphore_mem>>) src(%dma_wait3A_529 : memref<100001x32xf32, #tpu.memory_space<hbm>>) dst(%dma_wait3A_523 : memref<72x32xf32, #tpu.memory_space<vmem>>)
      %dma_wait3A_532 = arith.constant 1 : i32
      %dma_wait3A_533 = arith.constant 1 : i32
      %dma_wait3A_534 = arith.constant 1 : i32
      %dma_wait3A_535 = arith.constant 128 : i32
      %dma_wait3A_536 = arith.constant 0 : i32
      %dma_wait3A_537 = tpu.memref_slice %arg8[%rem3A_426, %dma_wait3A_534, %dma_wait3A_535, %dma_wait3A_536] : memref<3x2x200x32xf32, #tpu.memory_space<vmem>> -> memref<1x1x72x32xf32, #tpu.memory_space<vmem>>
      %dma_wait3A_538 = tpu.memref_squeeze %dma_wait3A_537 : memref<1x1x72x32xf32, #tpu.memory_space<vmem>> -> memref<72x32xf32, #tpu.memory_space<vmem>>
      %dma_wait3A_539 = arith.constant 128 : i32
      %dma_wait3A_540 = tpu.memref_slice %arg6[%rem3A_426, %dma_wait3A_532, %dma_wait3A_533, %dma_wait3A_539] : memref<3x2x2x200xi32, #tpu.memory_space<vmem>> -> memref<1x1x1x72xi32, #tpu.memory_space<vmem>>
      %dma_wait3A_541 = tpu.memref_squeeze %dma_wait3A_540 : memref<1x1x1x72xi32, #tpu.memory_space<vmem>> -> memref<72xi32, #tpu.memory_space<vmem>>
      %dma_wait3A_542 = arith.constant 0 : i32
      %dma_wait3A_543 = arith.constant 0 : i32
      %dma_wait3A_544 = tpu.memref_slice %arg4[%dma_wait3A_542, %dma_wait3A_543] : memref<100001x32xf32, #tpu.memory_space<hbm>> -> memref<100001x32xf32, #tpu.memory_space<hbm>>
      %dma_wait3A_545 = tpu.memref_slice %arg9[%rem3A_426] : memref<3x!tpu.dma_semaphore, #tpu.memory_space<semaphore_mem>> -> memref<1x!tpu.dma_semaphore, #tpu.memory_space<semaphore_mem>>
      %dma_wait3A_546 = tpu.memref_squeeze %dma_wait3A_545 : memref<1x!tpu.dma_semaphore, #tpu.memory_space<semaphore_mem>> -> memref<!tpu.dma_semaphore, #tpu.memory_space<semaphore_mem>>
      tpu.wait_indirect_dma semaphore(%dma_wait3A_546 : memref<!tpu.dma_semaphore, #tpu.memory_space<semaphore_mem>>) src(%dma_wait3A_544 : memref<100001x32xf32, #tpu.memory_space<hbm>>) dst(%dma_wait3A_538 : memref<72x32xf32, #tpu.memory_space<vmem>>)
      %mul3A_547 = arith.constant 2 : i32
      %mul3A_548 = arith.muli %scan3A_425, %mul3A_547 : i32
      %add3A_549 = arith.addi %mul3A_2, %mul3A_548 : i32
      %dma_start3A_550 = arith.constant 0 : i32
      %dma_start3A_551 = arith.constant 0 : i32
      %dma_start3A_552 = arith.constant 0 : i32
      %dma_start3A_553 = tpu.memref_slice %arg7[%rem3A_426, %dma_start3A_550, %dma_start3A_551, %dma_start3A_552] : memref<3x2x200x32xf32, #tpu.memory_space<vmem>> -> memref<1x2x200x32xf32, #tpu.memory_space<vmem>>
      %dma_start3A_554 = tpu.memref_squeeze %dma_start3A_553 : memref<1x2x200x32xf32, #tpu.memory_space<vmem>> -> memref<2x200x32xf32, #tpu.memory_space<vmem>>
      %dma_start3A_555 = arith.constant 0 : i32
      %dma_start3A_556 = arith.constant 0 : i32
      %dma_start3A_557 = tpu.memref_slice %arg5[%add3A_549, %dma_start3A_555, %dma_start3A_556] : memref<4096x200x64xf32, #tpu.memory_space<hbm>> -> memref<2x200x32xf32, #tpu.memory_space<hbm>>
      %dma_start3A_558 = tpu.memref_slice %arg10[%rem3A_426] : memref<3x!tpu.dma_semaphore, #tpu.memory_space<semaphore_mem>> -> memref<1x!tpu.dma_semaphore, #tpu.memory_space<semaphore_mem>>
      %dma_start3A_559 = tpu.memref_squeeze %dma_start3A_558 : memref<1x!tpu.dma_semaphore, #tpu.memory_space<semaphore_mem>> -> memref<!tpu.dma_semaphore, #tpu.memory_space<semaphore_mem>>
      %dma_start3A_560 = arith.constant 0 : i32
      %dma_start3A_561 = arith.constant 0 : i32
      %dma_start3A_562 = tpu.memref_slice %arg5[%add3A_549, %dma_start3A_560, %dma_start3A_561] : memref<4096x200x64xf32, #tpu.memory_space<hbm>> -> memref<2x200x32xf32, #tpu.memory_space<hbm>>
      %dma_start3A_563 = arith.constant 0 : i32
      %dma_start3A_564 = arith.constant 0 : i32
      %dma_start3A_565 = arith.constant 0 : i32
      %dma_start3A_566 = tpu.memref_slice %arg7[%rem3A_426, %dma_start3A_563, %dma_start3A_564, %dma_start3A_565] : memref<3x2x200x32xf32, #tpu.memory_space<vmem>> -> memref<1x2x200x32xf32, #tpu.memory_space<vmem>>
      %dma_start3A_567 = tpu.memref_squeeze %dma_start3A_566 : memref<1x2x200x32xf32, #tpu.memory_space<vmem>> -> memref<2x200x32xf32, #tpu.memory_space<vmem>>
      tpu.enqueue_dma source(%dma_start3A_567 : memref<2x200x32xf32, #tpu.memory_space<vmem>>) target(%dma_start3A_562 : memref<2x200x32xf32, #tpu.memory_space<hbm>>) target_semaphore(%dma_start3A_559 : memref<!tpu.dma_semaphore, #tpu.memory_space<semaphore_mem>>)
      %dma_start3A_568 = arith.constant 0 : i32
      %dma_start3A_569 = arith.constant 0 : i32
      %dma_start3A_570 = arith.constant 0 : i32
      %dma_start3A_571 = tpu.memref_slice %arg8[%rem3A_426, %dma_start3A_568, %dma_start3A_569, %dma_start3A_570] : memref<3x2x200x32xf32, #tpu.memory_space<vmem>> -> memref<1x2x200x32xf32, #tpu.memory_space<vmem>>
      %dma_start3A_572 = tpu.memref_squeeze %dma_start3A_571 : memref<1x2x200x32xf32, #tpu.memory_space<vmem>> -> memref<2x200x32xf32, #tpu.memory_space<vmem>>
      %dma_start3A_573 = arith.constant 0 : i32
      %dma_start3A_574 = arith.constant 32 : i32
      %dma_start3A_575 = tpu.memref_slice %arg5[%add3A_549, %dma_start3A_573, %dma_start3A_574] : memref<4096x200x64xf32, #tpu.memory_space<hbm>> -> memref<2x200x32xf32, #tpu.memory_space<hbm>>
      %dma_start3A_576 = tpu.memref_slice %arg10[%rem3A_426] : memref<3x!tpu.dma_semaphore, #tpu.memory_space<semaphore_mem>> -> memref<1x!tpu.dma_semaphore, #tpu.memory_space<semaphore_mem>>
      %dma_start3A_577 = tpu.memref_squeeze %dma_start3A_576 : memref<1x!tpu.dma_semaphore, #tpu.memory_space<semaphore_mem>> -> memref<!tpu.dma_semaphore, #tpu.memory_space<semaphore_mem>>
      %dma_start3A_578 = arith.constant 0 : i32
      %dma_start3A_579 = arith.constant 32 : i32
      %dma_start3A_580 = tpu.memref_slice %arg5[%add3A_549, %dma_start3A_578, %dma_start3A_579] : memref<4096x200x64xf32, #tpu.memory_space<hbm>> -> memref<2x200x32xf32, #tpu.memory_space<hbm>>
      %dma_start3A_581 = arith.constant 0 : i32
      %dma_start3A_582 = arith.constant 0 : i32
      %dma_start3A_583 = arith.constant 0 : i32
      %dma_start3A_584 = tpu.memref_slice %arg8[%rem3A_426, %dma_start3A_581, %dma_start3A_582, %dma_start3A_583] : memref<3x2x200x32xf32, #tpu.memory_space<vmem>> -> memref<1x2x200x32xf32, #tpu.memory_space<vmem>>
      %dma_start3A_585 = tpu.memref_squeeze %dma_start3A_584 : memref<1x2x200x32xf32, #tpu.memory_space<vmem>> -> memref<2x200x32xf32, #tpu.memory_space<vmem>>
      tpu.enqueue_dma source(%dma_start3A_585 : memref<2x200x32xf32, #tpu.memory_space<vmem>>) target(%dma_start3A_580 : memref<2x200x32xf32, #tpu.memory_space<hbm>>) target_semaphore(%dma_start3A_577 : memref<!tpu.dma_semaphore, #tpu.memory_space<semaphore_mem>>)
      %add3A_586 = arith.constant 3 : i32
      %add3A_587 = arith.addi %scan3A_425, %add3A_586 : i32
      %sub3A = arith.constant 1 : i32
      %sub3A_588 = arith.subi %add3A_587, %sub3A : i32
      %lt3A = arith.constant 64 : i32
      %lt3A_589 = arith.cmpi slt, %sub3A_588, %lt3A : i32
      %convert_element_type3A = arith.extui %lt3A_589 : i1 to i32
      %cond3A = arith.constant 0 : i32
      %cond3A_590 = arith.cmpi ne, %convert_element_type3A, %cond3A : i32
      scf.if %cond3A_590 {
        %add3A_591 = arith.constant 3 : i32
        %add3A_592 = arith.addi %scan3A_425, %add3A_591 : i32
        %sub3A_593 = arith.constant 1 : i32
        %sub3A_594 = arith.subi %add3A_592, %sub3A_593 : i32
        %rem3A_595 = arith.constant 3 : i32
        %rem3A_596 = arith.remsi %sub3A_594, %rem3A_595 : i32
        %gt3A = arith.constant 0 : i32
        %gt3A_597 = arith.cmpi sgt, %scan3A_425, %gt3A : i32
        %convert_element_type3A_598 = arith.extui %gt3A_597 : i1 to i32
        %cond3A_599 = arith.constant 0 : i32
        %cond3A_600 = arith.cmpi ne, %convert_element_type3A_598, %cond3A_599 : i32
        scf.if %cond3A_600 {
          %sub3A_728 = arith.constant 1 : i32
          %sub3A_729 = arith.subi %scan3A_425, %sub3A_728 : i32
          %mul3A_730 = arith.constant 2 : i32
          %mul3A_731 = arith.muli %sub3A_729, %mul3A_730 : i32
          %add3A_732 = arith.addi %mul3A_2, %mul3A_731 : i32
          %dma_wait3A_733 = arith.constant 0 : i32
          %dma_wait3A_734 = arith.constant 0 : i32
          %dma_wait3A_735 = arith.constant 0 : i32
          %dma_wait3A_736 = tpu.memref_slice %arg7[%rem3A_596, %dma_wait3A_733, %dma_wait3A_734, %dma_wait3A_735] : memref<3x2x200x32xf32, #tpu.memory_space<vmem>> -> memref<1x2x200x32xf32, #tpu.memory_space<vmem>>
          %dma_wait3A_737 = tpu.memref_squeeze %dma_wait3A_736 : memref<1x2x200x32xf32, #tpu.memory_space<vmem>> -> memref<2x200x32xf32, #tpu.memory_space<vmem>>
          %dma_wait3A_738 = arith.constant 0 : i32
          %dma_wait3A_739 = arith.constant 0 : i32
          %dma_wait3A_740 = tpu.memref_slice %arg5[%add3A_732, %dma_wait3A_738, %dma_wait3A_739] : memref<4096x200x64xf32, #tpu.memory_space<hbm>> -> memref<2x200x32xf32, #tpu.memory_space<hbm>>
          %dma_wait3A_741 = tpu.memref_slice %arg10[%rem3A_596] : memref<3x!tpu.dma_semaphore, #tpu.memory_space<semaphore_mem>> -> memref<1x!tpu.dma_semaphore, #tpu.memory_space<semaphore_mem>>
          %dma_wait3A_742 = tpu.memref_squeeze %dma_wait3A_741 : memref<1x!tpu.dma_semaphore, #tpu.memory_space<semaphore_mem>> -> memref<!tpu.dma_semaphore, #tpu.memory_space<semaphore_mem>>
          %dma_wait3A_743 = arith.constant 0 : i32
          %dma_wait3A_744 = arith.constant 0 : i32
          %dma_wait3A_745 = tpu.memref_slice %arg5[%add3A_732, %dma_wait3A_743, %dma_wait3A_744] : memref<4096x200x64xf32, #tpu.memory_space<hbm>> -> memref<2x200x32xf32, #tpu.memory_space<hbm>>
          %dma_wait3A_746 = arith.constant 0 : i32
          %dma_wait3A_747 = arith.constant 0 : i32
          %dma_wait3A_748 = arith.constant 0 : i32
          %dma_wait3A_749 = tpu.memref_slice %arg7[%rem3A_596, %dma_wait3A_746, %dma_wait3A_747, %dma_wait3A_748] : memref<3x2x200x32xf32, #tpu.memory_space<vmem>> -> memref<1x2x200x32xf32, #tpu.memory_space<vmem>>
          %dma_wait3A_750 = tpu.memref_squeeze %dma_wait3A_749 : memref<1x2x200x32xf32, #tpu.memory_space<vmem>> -> memref<2x200x32xf32, #tpu.memory_space<vmem>>
          tpu.wait_dma2 semaphore(%dma_wait3A_742 : memref<!tpu.dma_semaphore, #tpu.memory_space<semaphore_mem>>) src(%dma_wait3A_750 : memref<2x200x32xf32, #tpu.memory_space<vmem>>) dst(%dma_wait3A_745 : memref<2x200x32xf32, #tpu.memory_space<hbm>>)
          %dma_wait3A_751 = arith.constant 0 : i32
          %dma_wait3A_752 = arith.constant 0 : i32
          %dma_wait3A_753 = arith.constant 0 : i32
          %dma_wait3A_754 = tpu.memref_slice %arg8[%rem3A_596, %dma_wait3A_751, %dma_wait3A_752, %dma_wait3A_753] : memref<3x2x200x32xf32, #tpu.memory_space<vmem>> -> memref<1x2x200x32xf32, #tpu.memory_space<vmem>>
          %dma_wait3A_755 = tpu.memref_squeeze %dma_wait3A_754 : memref<1x2x200x32xf32, #tpu.memory_space<vmem>> -> memref<2x200x32xf32, #tpu.memory_space<vmem>>
          %dma_wait3A_756 = arith.constant 0 : i32
          %dma_wait3A_757 = arith.constant 32 : i32
          %dma_wait3A_758 = tpu.memref_slice %arg5[%add3A_732, %dma_wait3A_756, %dma_wait3A_757] : memref<4096x200x64xf32, #tpu.memory_space<hbm>> -> memref<2x200x32xf32, #tpu.memory_space<hbm>>
          %dma_wait3A_759 = tpu.memref_slice %arg10[%rem3A_596] : memref<3x!tpu.dma_semaphore, #tpu.memory_space<semaphore_mem>> -> memref<1x!tpu.dma_semaphore, #tpu.memory_space<semaphore_mem>>
          %dma_wait3A_760 = tpu.memref_squeeze %dma_wait3A_759 : memref<1x!tpu.dma_semaphore, #tpu.memory_space<semaphore_mem>> -> memref<!tpu.dma_semaphore, #tpu.memory_space<semaphore_mem>>
          %dma_wait3A_761 = arith.constant 0 : i32
          %dma_wait3A_762 = arith.constant 32 : i32
          %dma_wait3A_763 = tpu.memref_slice %arg5[%add3A_732, %dma_wait3A_761, %dma_wait3A_762] : memref<4096x200x64xf32, #tpu.memory_space<hbm>> -> memref<2x200x32xf32, #tpu.memory_space<hbm>>
          %dma_wait3A_764 = arith.constant 0 : i32
          %dma_wait3A_765 = arith.constant 0 : i32
          %dma_wait3A_766 = arith.constant 0 : i32
          %dma_wait3A_767 = tpu.memref_slice %arg8[%rem3A_596, %dma_wait3A_764, %dma_wait3A_765, %dma_wait3A_766] : memref<3x2x200x32xf32, #tpu.memory_space<vmem>> -> memref<1x2x200x32xf32, #tpu.memory_space<vmem>>
          %dma_wait3A_768 = tpu.memref_squeeze %dma_wait3A_767 : memref<1x2x200x32xf32, #tpu.memory_space<vmem>> -> memref<2x200x32xf32, #tpu.memory_space<vmem>>
          tpu.wait_dma2 semaphore(%dma_wait3A_760 : memref<!tpu.dma_semaphore, #tpu.memory_space<semaphore_mem>>) src(%dma_wait3A_768 : memref<2x200x32xf32, #tpu.memory_space<vmem>>) dst(%dma_wait3A_763 : memref<2x200x32xf32, #tpu.memory_space<hbm>>)
        } else {
        }
        %add3A_601 = arith.constant 3 : i32
        %add3A_602 = arith.addi %scan3A_425, %add3A_601 : i32
        %sub3A_603 = arith.constant 1 : i32
        %sub3A_604 = arith.subi %add3A_602, %sub3A_603 : i32
        %mul3A_605 = arith.constant 2 : i32
        %mul3A_606 = arith.muli %sub3A_604, %mul3A_605 : i32
        %add3A_607 = arith.addi %mul3A_2, %mul3A_606 : i32
        "tpu.region"() ({
          %run_scoped3A_728 = tpu.sem_alloc : memref<!tpu.dma_semaphore, #tpu.memory_space<semaphore_mem>>
          %dma_start3A_729 = arith.constant 0 : i32
          %dma_start3A_730 = arith.constant 0 : i32
          %dma_start3A_731 = arith.constant 0 : i32
          %dma_start3A_732 = tpu.memref_slice %arg6[%rem3A_596, %dma_start3A_729, %dma_start3A_730, %dma_start3A_731] : memref<3x2x2x200xi32, #tpu.memory_space<vmem>> -> memref<1x2x2x200xi32, #tpu.memory_space<vmem>>
          %dma_start3A_733 = tpu.memref_squeeze %dma_start3A_732 : memref<1x2x2x200xi32, #tpu.memory_space<vmem>> -> memref<2x2x200xi32, #tpu.memory_space<vmem>>
          %dma_start3A_734 = arith.constant 0 : i32
          %dma_start3A_735 = arith.constant 0 : i32
          %dma_start3A_736 = tpu.memref_slice %arg2[%add3A_607, %dma_start3A_734, %dma_start3A_735] : memref<4096x2x200xi32, #tpu.memory_space<hbm>> -> memref<2x2x200xi32, #tpu.memory_space<hbm>>
          %dma_start3A_737 = arith.constant 0 : i32
          %dma_start3A_738 = arith.constant 0 : i32
          %dma_start3A_739 = arith.constant 0 : i32
          %dma_start3A_740 = tpu.memref_slice %arg6[%rem3A_596, %dma_start3A_737, %dma_start3A_738, %dma_start3A_739] : memref<3x2x2x200xi32, #tpu.memory_space<vmem>> -> memref<1x2x2x200xi32, #tpu.memory_space<vmem>>
          %dma_start3A_741 = tpu.memref_squeeze %dma_start3A_740 : memref<1x2x2x200xi32, #tpu.memory_space<vmem>> -> memref<2x2x200xi32, #tpu.memory_space<vmem>>
          %dma_start3A_742 = arith.constant 0 : i32
          %dma_start3A_743 = arith.constant 0 : i32
          %dma_start3A_744 = tpu.memref_slice %arg2[%add3A_607, %dma_start3A_742, %dma_start3A_743] : memref<4096x2x200xi32, #tpu.memory_space<hbm>> -> memref<2x2x200xi32, #tpu.memory_space<hbm>>
          tpu.enqueue_dma source(%dma_start3A_744 : memref<2x2x200xi32, #tpu.memory_space<hbm>>) target(%dma_start3A_741 : memref<2x2x200xi32, #tpu.memory_space<vmem>>) target_semaphore(%run_scoped3A_728 : memref<!tpu.dma_semaphore, #tpu.memory_space<semaphore_mem>>)
          %dma_wait3A_745 = arith.constant 0 : i32
          %dma_wait3A_746 = arith.constant 0 : i32
          %dma_wait3A_747 = arith.constant 0 : i32
          %dma_wait3A_748 = tpu.memref_slice %arg6[%rem3A_596, %dma_wait3A_745, %dma_wait3A_746, %dma_wait3A_747] : memref<3x2x2x200xi32, #tpu.memory_space<vmem>> -> memref<1x2x2x200xi32, #tpu.memory_space<vmem>>
          %dma_wait3A_749 = tpu.memref_squeeze %dma_wait3A_748 : memref<1x2x2x200xi32, #tpu.memory_space<vmem>> -> memref<2x2x200xi32, #tpu.memory_space<vmem>>
          %dma_wait3A_750 = arith.constant 0 : i32
          %dma_wait3A_751 = arith.constant 0 : i32
          %dma_wait3A_752 = tpu.memref_slice %arg2[%add3A_607, %dma_wait3A_750, %dma_wait3A_751] : memref<4096x2x200xi32, #tpu.memory_space<hbm>> -> memref<2x2x200xi32, #tpu.memory_space<hbm>>
          %dma_wait3A_753 = arith.constant 0 : i32
          %dma_wait3A_754 = arith.constant 0 : i32
          %dma_wait3A_755 = arith.constant 0 : i32
          %dma_wait3A_756 = tpu.memref_slice %arg6[%rem3A_596, %dma_wait3A_753, %dma_wait3A_754, %dma_wait3A_755] : memref<3x2x2x200xi32, #tpu.memory_space<vmem>> -> memref<1x2x2x200xi32, #tpu.memory_space<vmem>>
          %dma_wait3A_757 = tpu.memref_squeeze %dma_wait3A_756 : memref<1x2x2x200xi32, #tpu.memory_space<vmem>> -> memref<2x2x200xi32, #tpu.memory_space<vmem>>
          %dma_wait3A_758 = arith.constant 0 : i32
          %dma_wait3A_759 = arith.constant 0 : i32
          %dma_wait3A_760 = tpu.memref_slice %arg2[%add3A_607, %dma_wait3A_758, %dma_wait3A_759] : memref<4096x2x200xi32, #tpu.memory_space<hbm>> -> memref<2x2x200xi32, #tpu.memory_space<hbm>>
          tpu.wait_dma2 semaphore(%run_scoped3A_728 : memref<!tpu.dma_semaphore, #tpu.memory_space<semaphore_mem>>) src(%dma_wait3A_760 : memref<2x2x200xi32, #tpu.memory_space<hbm>>) dst(%dma_wait3A_757 : memref<2x2x200xi32, #tpu.memory_space<vmem>>)
          tpu.yield
        }) : () -> ()
        %dma_start3A_608 = arith.constant 0 : i32
        %dma_start3A_609 = arith.constant 0 : i32
        %dma_start3A_610 = arith.constant 0 : i32
        %dma_start3A_611 = arith.constant 0 : i32
        %dma_start3A_612 = arith.constant 0 : i32
        %dma_start3A_613 = tpu.memref_slice %arg7[%rem3A_596, %dma_start3A_610, %dma_start3A_611, %dma_start3A_612] : memref<3x2x200x32xf32, #tpu.memory_space<vmem>> -> memref<1x1x128x32xf32, #tpu.memory_space<vmem>>
        %dma_start3A_614 = tpu.memref_squeeze %dma_start3A_613 : memref<1x1x128x32xf32, #tpu.memory_space<vmem>> -> memref<128x32xf32, #tpu.memory_space<vmem>>
        %dma_start3A_615 = arith.constant 0 : i32
        %dma_start3A_616 = tpu.memref_slice %arg6[%rem3A_596, %dma_start3A_608, %dma_start3A_609, %dma_start3A_615] : memref<3x2x2x200xi32, #tpu.memory_space<vmem>> -> memref<1x1x1x128xi32, #tpu.memory_space<vmem>>
        %dma_start3A_617 = tpu.memref_squeeze %dma_start3A_616 : memref<1x1x1x128xi32, #tpu.memory_space<vmem>> -> memref<128xi32, #tpu.memory_space<vmem>>
        %dma_start3A_618 = arith.constant 0 : i32
        %dma_start3A_619 = arith.constant 0 : i32
        %dma_start3A_620 = tpu.memref_slice %arg3[%dma_start3A_618, %dma_start3A_619] : memref<100001x32xf32, #tpu.memory_space<hbm>> -> memref<100001x32xf32, #tpu.memory_space<hbm>>
        %dma_start3A_621 = tpu.memref_slice %arg9[%rem3A_596] : memref<3x!tpu.dma_semaphore, #tpu.memory_space<semaphore_mem>> -> memref<1x!tpu.dma_semaphore, #tpu.memory_space<semaphore_mem>>
        %dma_start3A_622 = tpu.memref_squeeze %dma_start3A_621 : memref<1x!tpu.dma_semaphore, #tpu.memory_space<semaphore_mem>> -> memref<!tpu.dma_semaphore, #tpu.memory_space<semaphore_mem>>
        tpu.enqueue_indirect_dma source(%dma_start3A_620 : memref<100001x32xf32, #tpu.memory_space<hbm>>) target(%dma_start3A_614 : memref<128x32xf32, #tpu.memory_space<vmem>>) offsets(%dma_start3A_617 : memref<128xi32, #tpu.memory_space<vmem>>) semaphore(%dma_start3A_622 : memref<!tpu.dma_semaphore, #tpu.memory_space<semaphore_mem>>)
        %dma_start3A_623 = arith.constant 0 : i32
        %dma_start3A_624 = arith.constant 1 : i32
        %dma_start3A_625 = arith.constant 0 : i32
        %dma_start3A_626 = arith.constant 0 : i32
        %dma_start3A_627 = arith.constant 0 : i32
        %dma_start3A_628 = tpu.memref_slice %arg8[%rem3A_596, %dma_start3A_625, %dma_start3A_626, %dma_start3A_627] : memref<3x2x200x32xf32, #tpu.memory_space<vmem>> -> memref<1x1x128x32xf32, #tpu.memory_space<vmem>>
        %dma_start3A_629 = tpu.memref_squeeze %dma_start3A_628 : memref<1x1x128x32xf32, #tpu.memory_space<vmem>> -> memref<128x32xf32, #tpu.memory_space<vmem>>
        %dma_start3A_630 = arith.constant 0 : i32
        %dma_start3A_631 = tpu.memref_slice %arg6[%rem3A_596, %dma_start3A_623, %dma_start3A_624, %dma_start3A_630] : memref<3x2x2x200xi32, #tpu.memory_space<vmem>> -> memref<1x1x1x128xi32, #tpu.memory_space<vmem>>
        %dma_start3A_632 = tpu.memref_squeeze %dma_start3A_631 : memref<1x1x1x128xi32, #tpu.memory_space<vmem>> -> memref<128xi32, #tpu.memory_space<vmem>>
        %dma_start3A_633 = arith.constant 0 : i32
        %dma_start3A_634 = arith.constant 0 : i32
        %dma_start3A_635 = tpu.memref_slice %arg4[%dma_start3A_633, %dma_start3A_634] : memref<100001x32xf32, #tpu.memory_space<hbm>> -> memref<100001x32xf32, #tpu.memory_space<hbm>>
        %dma_start3A_636 = tpu.memref_slice %arg9[%rem3A_596] : memref<3x!tpu.dma_semaphore, #tpu.memory_space<semaphore_mem>> -> memref<1x!tpu.dma_semaphore, #tpu.memory_space<semaphore_mem>>
        %dma_start3A_637 = tpu.memref_squeeze %dma_start3A_636 : memref<1x!tpu.dma_semaphore, #tpu.memory_space<semaphore_mem>> -> memref<!tpu.dma_semaphore, #tpu.memory_space<semaphore_mem>>
        tpu.enqueue_indirect_dma source(%dma_start3A_635 : memref<100001x32xf32, #tpu.memory_space<hbm>>) target(%dma_start3A_629 : memref<128x32xf32, #tpu.memory_space<vmem>>) offsets(%dma_start3A_632 : memref<128xi32, #tpu.memory_space<vmem>>) semaphore(%dma_start3A_637 : memref<!tpu.dma_semaphore, #tpu.memory_space<semaphore_mem>>)
        %dma_start3A_638 = arith.constant 0 : i32
        %dma_start3A_639 = arith.constant 0 : i32
        %dma_start3A_640 = arith.constant 0 : i32
        %dma_start3A_641 = arith.constant 128 : i32
        %dma_start3A_642 = arith.constant 0 : i32
        %dma_start3A_643 = tpu.memref_slice %arg7[%rem3A_596, %dma_start3A_640, %dma_start3A_641, %dma_start3A_642] : memref<3x2x200x32xf32, #tpu.memory_space<vmem>> -> memref<1x1x72x32xf32, #tpu.memory_space<vmem>>
        %dma_start3A_644 = tpu.memref_squeeze %dma_start3A_643 : memref<1x1x72x32xf32, #tpu.memory_space<vmem>> -> memref<72x32xf32, #tpu.memory_space<vmem>>
        %dma_start3A_645 = arith.constant 128 : i32
        %dma_start3A_646 = tpu.memref_slice %arg6[%rem3A_596, %dma_start3A_638, %dma_start3A_639, %dma_start3A_645] : memref<3x2x2x200xi32, #tpu.memory_space<vmem>> -> memref<1x1x1x72xi32, #tpu.memory_space<vmem>>
        %dma_start3A_647 = tpu.memref_squeeze %dma_start3A_646 : memref<1x1x1x72xi32, #tpu.memory_space<vmem>> -> memref<72xi32, #tpu.memory_space<vmem>>
        %dma_start3A_648 = arith.constant 0 : i32
        %dma_start3A_649 = arith.constant 0 : i32
        %dma_start3A_650 = tpu.memref_slice %arg3[%dma_start3A_648, %dma_start3A_649] : memref<100001x32xf32, #tpu.memory_space<hbm>> -> memref<100001x32xf32, #tpu.memory_space<hbm>>
        %dma_start3A_651 = tpu.memref_slice %arg9[%rem3A_596] : memref<3x!tpu.dma_semaphore, #tpu.memory_space<semaphore_mem>> -> memref<1x!tpu.dma_semaphore, #tpu.memory_space<semaphore_mem>>
        %dma_start3A_652 = tpu.memref_squeeze %dma_start3A_651 : memref<1x!tpu.dma_semaphore, #tpu.memory_space<semaphore_mem>> -> memref<!tpu.dma_semaphore, #tpu.memory_space<semaphore_mem>>
        tpu.enqueue_indirect_dma source(%dma_start3A_650 : memref<100001x32xf32, #tpu.memory_space<hbm>>) target(%dma_start3A_644 : memref<72x32xf32, #tpu.memory_space<vmem>>) offsets(%dma_start3A_647 : memref<72xi32, #tpu.memory_space<vmem>>) semaphore(%dma_start3A_652 : memref<!tpu.dma_semaphore, #tpu.memory_space<semaphore_mem>>)
        %dma_start3A_653 = arith.constant 0 : i32
        %dma_start3A_654 = arith.constant 1 : i32
        %dma_start3A_655 = arith.constant 0 : i32
        %dma_start3A_656 = arith.constant 128 : i32
        %dma_start3A_657 = arith.constant 0 : i32
        %dma_start3A_658 = tpu.memref_slice %arg8[%rem3A_596, %dma_start3A_655, %dma_start3A_656, %dma_start3A_657] : memref<3x2x200x32xf32, #tpu.memory_space<vmem>> -> memref<1x1x72x32xf32, #tpu.memory_space<vmem>>
        %dma_start3A_659 = tpu.memref_squeeze %dma_start3A_658 : memref<1x1x72x32xf32, #tpu.memory_space<vmem>> -> memref<72x32xf32, #tpu.memory_space<vmem>>
        %dma_start3A_660 = arith.constant 128 : i32
        %dma_start3A_661 = tpu.memref_slice %arg6[%rem3A_596, %dma_start3A_653, %dma_start3A_654, %dma_start3A_660] : memref<3x2x2x200xi32, #tpu.memory_space<vmem>> -> memref<1x1x1x72xi32, #tpu.memory_space<vmem>>
        %dma_start3A_662 = tpu.memref_squeeze %dma_start3A_661 : memref<1x1x1x72xi32, #tpu.memory_space<vmem>> -> memref<72xi32, #tpu.memory_space<vmem>>
        %dma_start3A_663 = arith.constant 0 : i32
        %dma_start3A_664 = arith.constant 0 : i32
        %dma_start3A_665 = tpu.memref_slice %arg4[%dma_start3A_663, %dma_start3A_664] : memref<100001x32xf32, #tpu.memory_space<hbm>> -> memref<100001x32xf32, #tpu.memory_space<hbm>>
        %dma_start3A_666 = tpu.memref_slice %arg9[%rem3A_596] : memref<3x!tpu.dma_semaphore, #tpu.memory_space<semaphore_mem>> -> memref<1x!tpu.dma_semaphore, #tpu.memory_space<semaphore_mem>>
        %dma_start3A_667 = tpu.memref_squeeze %dma_start3A_666 : memref<1x!tpu.dma_semaphore, #tpu.memory_space<semaphore_mem>> -> memref<!tpu.dma_semaphore, #tpu.memory_space<semaphore_mem>>
        tpu.enqueue_indirect_dma source(%dma_start3A_665 : memref<100001x32xf32, #tpu.memory_space<hbm>>) target(%dma_start3A_659 : memref<72x32xf32, #tpu.memory_space<vmem>>) offsets(%dma_start3A_662 : memref<72xi32, #tpu.memory_space<vmem>>) semaphore(%dma_start3A_667 : memref<!tpu.dma_semaphore, #tpu.memory_space<semaphore_mem>>)
        %dma_start3A_668 = arith.constant 1 : i32
        %dma_start3A_669 = arith.constant 0 : i32
        %dma_start3A_670 = arith.constant 1 : i32
        %dma_start3A_671 = arith.constant 0 : i32
        %dma_start3A_672 = arith.constant 0 : i32
        %dma_start3A_673 = tpu.memref_slice %arg7[%rem3A_596, %dma_start3A_670, %dma_start3A_671, %dma_start3A_672] : memref<3x2x200x32xf32, #tpu.memory_space<vmem>> -> memref<1x1x128x32xf32, #tpu.memory_space<vmem>>
        %dma_start3A_674 = tpu.memref_squeeze %dma_start3A_673 : memref<1x1x128x32xf32, #tpu.memory_space<vmem>> -> memref<128x32xf32, #tpu.memory_space<vmem>>
        %dma_start3A_675 = arith.constant 0 : i32
        %dma_start3A_676 = tpu.memref_slice %arg6[%rem3A_596, %dma_start3A_668, %dma_start3A_669, %dma_start3A_675] : memref<3x2x2x200xi32, #tpu.memory_space<vmem>> -> memref<1x1x1x128xi32, #tpu.memory_space<vmem>>
        %dma_start3A_677 = tpu.memref_squeeze %dma_start3A_676 : memref<1x1x1x128xi32, #tpu.memory_space<vmem>> -> memref<128xi32, #tpu.memory_space<vmem>>
        %dma_start3A_678 = arith.constant 0 : i32
        %dma_start3A_679 = arith.constant 0 : i32
        %dma_start3A_680 = tpu.memref_slice %arg3[%dma_start3A_678, %dma_start3A_679] : memref<100001x32xf32, #tpu.memory_space<hbm>> -> memref<100001x32xf32, #tpu.memory_space<hbm>>
        %dma_start3A_681 = tpu.memref_slice %arg9[%rem3A_596] : memref<3x!tpu.dma_semaphore, #tpu.memory_space<semaphore_mem>> -> memref<1x!tpu.dma_semaphore, #tpu.memory_space<semaphore_mem>>
        %dma_start3A_682 = tpu.memref_squeeze %dma_start3A_681 : memref<1x!tpu.dma_semaphore, #tpu.memory_space<semaphore_mem>> -> memref<!tpu.dma_semaphore, #tpu.memory_space<semaphore_mem>>
        tpu.enqueue_indirect_dma source(%dma_start3A_680 : memref<100001x32xf32, #tpu.memory_space<hbm>>) target(%dma_start3A_674 : memref<128x32xf32, #tpu.memory_space<vmem>>) offsets(%dma_start3A_677 : memref<128xi32, #tpu.memory_space<vmem>>) semaphore(%dma_start3A_682 : memref<!tpu.dma_semaphore, #tpu.memory_space<semaphore_mem>>)
        %dma_start3A_683 = arith.constant 1 : i32
        %dma_start3A_684 = arith.constant 1 : i32
        %dma_start3A_685 = arith.constant 1 : i32
        %dma_start3A_686 = arith.constant 0 : i32
        %dma_start3A_687 = arith.constant 0 : i32
        %dma_start3A_688 = tpu.memref_slice %arg8[%rem3A_596, %dma_start3A_685, %dma_start3A_686, %dma_start3A_687] : memref<3x2x200x32xf32, #tpu.memory_space<vmem>> -> memref<1x1x128x32xf32, #tpu.memory_space<vmem>>
        %dma_start3A_689 = tpu.memref_squeeze %dma_start3A_688 : memref<1x1x128x32xf32, #tpu.memory_space<vmem>> -> memref<128x32xf32, #tpu.memory_space<vmem>>
        %dma_start3A_690 = arith.constant 0 : i32
        %dma_start3A_691 = tpu.memref_slice %arg6[%rem3A_596, %dma_start3A_683, %dma_start3A_684, %dma_start3A_690] : memref<3x2x2x200xi32, #tpu.memory_space<vmem>> -> memref<1x1x1x128xi32, #tpu.memory_space<vmem>>
        %dma_start3A_692 = tpu.memref_squeeze %dma_start3A_691 : memref<1x1x1x128xi32, #tpu.memory_space<vmem>> -> memref<128xi32, #tpu.memory_space<vmem>>
        %dma_start3A_693 = arith.constant 0 : i32
        %dma_start3A_694 = arith.constant 0 : i32
        %dma_start3A_695 = tpu.memref_slice %arg4[%dma_start3A_693, %dma_start3A_694] : memref<100001x32xf32, #tpu.memory_space<hbm>> -> memref<100001x32xf32, #tpu.memory_space<hbm>>
        %dma_start3A_696 = tpu.memref_slice %arg9[%rem3A_596] : memref<3x!tpu.dma_semaphore, #tpu.memory_space<semaphore_mem>> -> memref<1x!tpu.dma_semaphore, #tpu.memory_space<semaphore_mem>>
        %dma_start3A_697 = tpu.memref_squeeze %dma_start3A_696 : memref<1x!tpu.dma_semaphore, #tpu.memory_space<semaphore_mem>> -> memref<!tpu.dma_semaphore, #tpu.memory_space<semaphore_mem>>
        tpu.enqueue_indirect_dma source(%dma_start3A_695 : memref<100001x32xf32, #tpu.memory_space<hbm>>) target(%dma_start3A_689 : memref<128x32xf32, #tpu.memory_space<vmem>>) offsets(%dma_start3A_692 : memref<128xi32, #tpu.memory_space<vmem>>) semaphore(%dma_start3A_697 : memref<!tpu.dma_semaphore, #tpu.memory_space<semaphore_mem>>)
        %dma_start3A_698 = arith.constant 1 : i32
        %dma_start3A_699 = arith.constant 0 : i32
        %dma_start3A_700 = arith.constant 1 : i32
        %dma_start3A_701 = arith.constant 128 : i32
        %dma_start3A_702 = arith.constant 0 : i32
        %dma_start3A_703 = tpu.memref_slice %arg7[%rem3A_596, %dma_start3A_700, %dma_start3A_701, %dma_start3A_702] : memref<3x2x200x32xf32, #tpu.memory_space<vmem>> -> memref<1x1x72x32xf32, #tpu.memory_space<vmem>>
        %dma_start3A_704 = tpu.memref_squeeze %dma_start3A_703 : memref<1x1x72x32xf32, #tpu.memory_space<vmem>> -> memref<72x32xf32, #tpu.memory_space<vmem>>
        %dma_start3A_705 = arith.constant 128 : i32
        %dma_start3A_706 = tpu.memref_slice %arg6[%rem3A_596, %dma_start3A_698, %dma_start3A_699, %dma_start3A_705] : memref<3x2x2x200xi32, #tpu.memory_space<vmem>> -> memref<1x1x1x72xi32, #tpu.memory_space<vmem>>
        %dma_start3A_707 = tpu.memref_squeeze %dma_start3A_706 : memref<1x1x1x72xi32, #tpu.memory_space<vmem>> -> memref<72xi32, #tpu.memory_space<vmem>>
        %dma_start3A_708 = arith.constant 0 : i32
        %dma_start3A_709 = arith.constant 0 : i32
        %dma_start3A_710 = tpu.memref_slice %arg3[%dma_start3A_708, %dma_start3A_709] : memref<100001x32xf32, #tpu.memory_space<hbm>> -> memref<100001x32xf32, #tpu.memory_space<hbm>>
        %dma_start3A_711 = tpu.memref_slice %arg9[%rem3A_596] : memref<3x!tpu.dma_semaphore, #tpu.memory_space<semaphore_mem>> -> memref<1x!tpu.dma_semaphore, #tpu.memory_space<semaphore_mem>>
        %dma_start3A_712 = tpu.memref_squeeze %dma_start3A_711 : memref<1x!tpu.dma_semaphore, #tpu.memory_space<semaphore_mem>> -> memref<!tpu.dma_semaphore, #tpu.memory_space<semaphore_mem>>
        tpu.enqueue_indirect_dma source(%dma_start3A_710 : memref<100001x32xf32, #tpu.memory_space<hbm>>) target(%dma_start3A_704 : memref<72x32xf32, #tpu.memory_space<vmem>>) offsets(%dma_start3A_707 : memref<72xi32, #tpu.memory_space<vmem>>) semaphore(%dma_start3A_712 : memref<!tpu.dma_semaphore, #tpu.memory_space<semaphore_mem>>)
        %dma_start3A_713 = arith.constant 1 : i32
        %dma_start3A_714 = arith.constant 1 : i32
        %dma_start3A_715 = arith.constant 1 : i32
        %dma_start3A_716 = arith.constant 128 : i32
        %dma_start3A_717 = arith.constant 0 : i32
        %dma_start3A_718 = tpu.memref_slice %arg8[%rem3A_596, %dma_start3A_715, %dma_start3A_716, %dma_start3A_717] : memref<3x2x200x32xf32, #tpu.memory_space<vmem>> -> memref<1x1x72x32xf32, #tpu.memory_space<vmem>>
        %dma_start3A_719 = tpu.memref_squeeze %dma_start3A_718 : memref<1x1x72x32xf32, #tpu.memory_space<vmem>> -> memref<72x32xf32, #tpu.memory_space<vmem>>
        %dma_start3A_720 = arith.constant 128 : i32
        %dma_start3A_721 = tpu.memref_slice %arg6[%rem3A_596, %dma_start3A_713, %dma_start3A_714, %dma_start3A_720] : memref<3x2x2x200xi32, #tpu.memory_space<vmem>> -> memref<1x1x1x72xi32, #tpu.memory_space<vmem>>
        %dma_start3A_722 = tpu.memref_squeeze %dma_start3A_721 : memref<1x1x1x72xi32, #tpu.memory_space<vmem>> -> memref<72xi32, #tpu.memory_space<vmem>>
        %dma_start3A_723 = arith.constant 0 : i32
        %dma_start3A_724 = arith.constant 0 : i32
        %dma_start3A_725 = tpu.memref_slice %arg4[%dma_start3A_723, %dma_start3A_724] : memref<100001x32xf32, #tpu.memory_space<hbm>> -> memref<100001x32xf32, #tpu.memory_space<hbm>>
        %dma_start3A_726 = tpu.memref_slice %arg9[%rem3A_596] : memref<3x!tpu.dma_semaphore, #tpu.memory_space<semaphore_mem>> -> memref<1x!tpu.dma_semaphore, #tpu.memory_space<semaphore_mem>>
        %dma_start3A_727 = tpu.memref_squeeze %dma_start3A_726 : memref<1x!tpu.dma_semaphore, #tpu.memory_space<semaphore_mem>> -> memref<!tpu.dma_semaphore, #tpu.memory_space<semaphore_mem>>
        tpu.enqueue_indirect_dma source(%dma_start3A_725 : memref<100001x32xf32, #tpu.memory_space<hbm>>) target(%dma_start3A_719 : memref<72x32xf32, #tpu.memory_space<vmem>>) offsets(%dma_start3A_722 : memref<72xi32, #tpu.memory_space<vmem>>) semaphore(%dma_start3A_727 : memref<!tpu.dma_semaphore, #tpu.memory_space<semaphore_mem>>)
      } else {
      }
    }
    %scan3A_299 = arith.constant 64 : i32
    %add3A_300 = arith.constant 122 : i32
    %add3A_301 = arith.addi %mul3A_2, %add3A_300 : i32
    %dma_wait3A = arith.constant 1 : i32
    %dma_wait3A_302 = arith.constant 1 : i32
    %dma_wait3A_303 = arith.constant 0 : i32
    %dma_wait3A_304 = arith.constant 0 : i32
    %dma_wait3A_305 = arith.constant 0 : i32
    %dma_wait3A_306 = tpu.memref_slice %arg7[%dma_wait3A, %dma_wait3A_303, %dma_wait3A_304, %dma_wait3A_305] : memref<3x2x200x32xf32, #tpu.memory_space<vmem>> -> memref<1x2x200x32xf32, #tpu.memory_space<vmem>>
    %dma_wait3A_307 = tpu.memref_squeeze %dma_wait3A_306 : memref<1x2x200x32xf32, #tpu.memory_space<vmem>> -> memref<2x200x32xf32, #tpu.memory_space<vmem>>
    %dma_wait3A_308 = arith.constant 0 : i32
    %dma_wait3A_309 = arith.constant 0 : i32
    %dma_wait3A_310 = tpu.memref_slice %arg5[%add3A_301, %dma_wait3A_308, %dma_wait3A_309] : memref<4096x200x64xf32, #tpu.memory_space<hbm>> -> memref<2x200x32xf32, #tpu.memory_space<hbm>>
    %dma_wait3A_311 = tpu.memref_slice %arg10[%dma_wait3A_302] : memref<3x!tpu.dma_semaphore, #tpu.memory_space<semaphore_mem>> -> memref<1x!tpu.dma_semaphore, #tpu.memory_space<semaphore_mem>>
    %dma_wait3A_312 = tpu.memref_squeeze %dma_wait3A_311 : memref<1x!tpu.dma_semaphore, #tpu.memory_space<semaphore_mem>> -> memref<!tpu.dma_semaphore, #tpu.memory_space<semaphore_mem>>
    %dma_wait3A_313 = arith.constant 0 : i32
    %dma_wait3A_314 = arith.constant 0 : i32
    %dma_wait3A_315 = tpu.memref_slice %arg5[%add3A_301, %dma_wait3A_313, %dma_wait3A_314] : memref<4096x200x64xf32, #tpu.memory_space<hbm>> -> memref<2x200x32xf32, #tpu.memory_space<hbm>>
    %dma_wait3A_316 = arith.constant 0 : i32
    %dma_wait3A_317 = arith.constant 0 : i32
    %dma_wait3A_318 = arith.constant 0 : i32
    %dma_wait3A_319 = tpu.memref_slice %arg7[%dma_wait3A, %dma_wait3A_316, %dma_wait3A_317, %dma_wait3A_318] : memref<3x2x200x32xf32, #tpu.memory_space<vmem>> -> memref<1x2x200x32xf32, #tpu.memory_space<vmem>>
    %dma_wait3A_320 = tpu.memref_squeeze %dma_wait3A_319 : memref<1x2x200x32xf32, #tpu.memory_space<vmem>> -> memref<2x200x32xf32, #tpu.memory_space<vmem>>
    tpu.wait_dma2 semaphore(%dma_wait3A_312 : memref<!tpu.dma_semaphore, #tpu.memory_space<semaphore_mem>>) src(%dma_wait3A_320 : memref<2x200x32xf32, #tpu.memory_space<vmem>>) dst(%dma_wait3A_315 : memref<2x200x32xf32, #tpu.memory_space<hbm>>)
    %dma_wait3A_321 = arith.constant 1 : i32
    %dma_wait3A_322 = arith.constant 1 : i32
    %dma_wait3A_323 = arith.constant 0 : i32
    %dma_wait3A_324 = arith.constant 0 : i32
    %dma_wait3A_325 = arith.constant 0 : i32
    %dma_wait3A_326 = tpu.memref_slice %arg8[%dma_wait3A_321, %dma_wait3A_323, %dma_wait3A_324, %dma_wait3A_325] : memref<3x2x200x32xf32, #tpu.memory_space<vmem>> -> memref<1x2x200x32xf32, #tpu.memory_space<vmem>>
    %dma_wait3A_327 = tpu.memref_squeeze %dma_wait3A_326 : memref<1x2x200x32xf32, #tpu.memory_space<vmem>> -> memref<2x200x32xf32, #tpu.memory_space<vmem>>
    %dma_wait3A_328 = arith.constant 0 : i32
    %dma_wait3A_329 = arith.constant 32 : i32
    %dma_wait3A_330 = tpu.memref_slice %arg5[%add3A_301, %dma_wait3A_328, %dma_wait3A_329] : memref<4096x200x64xf32, #tpu.memory_space<hbm>> -> memref<2x200x32xf32, #tpu.memory_space<hbm>>
    %dma_wait3A_331 = tpu.memref_slice %arg10[%dma_wait3A_322] : memref<3x!tpu.dma_semaphore, #tpu.memory_space<semaphore_mem>> -> memref<1x!tpu.dma_semaphore, #tpu.memory_space<semaphore_mem>>
    %dma_wait3A_332 = tpu.memref_squeeze %dma_wait3A_331 : memref<1x!tpu.dma_semaphore, #tpu.memory_space<semaphore_mem>> -> memref<!tpu.dma_semaphore, #tpu.memory_space<semaphore_mem>>
    %dma_wait3A_333 = arith.constant 0 : i32
    %dma_wait3A_334 = arith.constant 32 : i32
    %dma_wait3A_335 = tpu.memref_slice %arg5[%add3A_301, %dma_wait3A_333, %dma_wait3A_334] : memref<4096x200x64xf32, #tpu.memory_space<hbm>> -> memref<2x200x32xf32, #tpu.memory_space<hbm>>
    %dma_wait3A_336 = arith.constant 0 : i32
    %dma_wait3A_337 = arith.constant 0 : i32
    %dma_wait3A_338 = arith.constant 0 : i32
    %dma_wait3A_339 = tpu.memref_slice %arg8[%dma_wait3A_321, %dma_wait3A_336, %dma_wait3A_337, %dma_wait3A_338] : memref<3x2x200x32xf32, #tpu.memory_space<vmem>> -> memref<1x2x200x32xf32, #tpu.memory_space<vmem>>
    %dma_wait3A_340 = tpu.memref_squeeze %dma_wait3A_339 : memref<1x2x200x32xf32, #tpu.memory_space<vmem>> -> memref<2x200x32xf32, #tpu.memory_space<vmem>>
    tpu.wait_dma2 semaphore(%dma_wait3A_332 : memref<!tpu.dma_semaphore, #tpu.memory_space<semaphore_mem>>) src(%dma_wait3A_340 : memref<2x200x32xf32, #tpu.memory_space<vmem>>) dst(%dma_wait3A_335 : memref<2x200x32xf32, #tpu.memory_space<hbm>>)
    %add3A_341 = arith.constant 124 : i32
    %add3A_342 = arith.addi %mul3A_2, %add3A_341 : i32
    %dma_wait3A_343 = arith.constant 2 : i32
    %dma_wait3A_344 = arith.constant 2 : i32
    %dma_wait3A_345 = arith.constant 0 : i32
    %dma_wait3A_346 = arith.constant 0 : i32
    %dma_wait3A_347 = arith.constant 0 : i32
    %dma_wait3A_348 = tpu.memref_slice %arg7[%dma_wait3A_343, %dma_wait3A_345, %dma_wait3A_346, %dma_wait3A_347] : memref<3x2x200x32xf32, #tpu.memory_space<vmem>> -> memref<1x2x200x32xf32, #tpu.memory_space<vmem>>
    %dma_wait3A_349 = tpu.memref_squeeze %dma_wait3A_348 : memref<1x2x200x32xf32, #tpu.memory_space<vmem>> -> memref<2x200x32xf32, #tpu.memory_space<vmem>>
    %dma_wait3A_350 = arith.constant 0 : i32
    %dma_wait3A_351 = arith.constant 0 : i32
    %dma_wait3A_352 = tpu.memref_slice %arg5[%add3A_342, %dma_wait3A_350, %dma_wait3A_351] : memref<4096x200x64xf32, #tpu.memory_space<hbm>> -> memref<2x200x32xf32, #tpu.memory_space<hbm>>
    %dma_wait3A_353 = tpu.memref_slice %arg10[%dma_wait3A_344] : memref<3x!tpu.dma_semaphore, #tpu.memory_space<semaphore_mem>> -> memref<1x!tpu.dma_semaphore, #tpu.memory_space<semaphore_mem>>
    %dma_wait3A_354 = tpu.memref_squeeze %dma_wait3A_353 : memref<1x!tpu.dma_semaphore, #tpu.memory_space<semaphore_mem>> -> memref<!tpu.dma_semaphore, #tpu.memory_space<semaphore_mem>>
    %dma_wait3A_355 = arith.constant 0 : i32
    %dma_wait3A_356 = arith.constant 0 : i32
    %dma_wait3A_357 = tpu.memref_slice %arg5[%add3A_342, %dma_wait3A_355, %dma_wait3A_356] : memref<4096x200x64xf32, #tpu.memory_space<hbm>> -> memref<2x200x32xf32, #tpu.memory_space<hbm>>
    %dma_wait3A_358 = arith.constant 0 : i32
    %dma_wait3A_359 = arith.constant 0 : i32
    %dma_wait3A_360 = arith.constant 0 : i32
    %dma_wait3A_361 = tpu.memref_slice %arg7[%dma_wait3A_343, %dma_wait3A_358, %dma_wait3A_359, %dma_wait3A_360] : memref<3x2x200x32xf32, #tpu.memory_space<vmem>> -> memref<1x2x200x32xf32, #tpu.memory_space<vmem>>
    %dma_wait3A_362 = tpu.memref_squeeze %dma_wait3A_361 : memref<1x2x200x32xf32, #tpu.memory_space<vmem>> -> memref<2x200x32xf32, #tpu.memory_space<vmem>>
    tpu.wait_dma2 semaphore(%dma_wait3A_354 : memref<!tpu.dma_semaphore, #tpu.memory_space<semaphore_mem>>) src(%dma_wait3A_362 : memref<2x200x32xf32, #tpu.memory_space<vmem>>) dst(%dma_wait3A_357 : memref<2x200x32xf32, #tpu.memory_space<hbm>>)
    %dma_wait3A_363 = arith.constant 2 : i32
    %dma_wait3A_364 = arith.constant 2 : i32
    %dma_wait3A_365 = arith.constant 0 : i32
    %dma_wait3A_366 = arith.constant 0 : i32
    %dma_wait3A_367 = arith.constant 0 : i32
    %dma_wait3A_368 = tpu.memref_slice %arg8[%dma_wait3A_363, %dma_wait3A_365, %dma_wait3A_366, %dma_wait3A_367] : memref<3x2x200x32xf32, #tpu.memory_space<vmem>> -> memref<1x2x200x32xf32, #tpu.memory_space<vmem>>
    %dma_wait3A_369 = tpu.memref_squeeze %dma_wait3A_368 : memref<1x2x200x32xf32, #tpu.memory_space<vmem>> -> memref<2x200x32xf32, #tpu.memory_space<vmem>>
    %dma_wait3A_370 = arith.constant 0 : i32
    %dma_wait3A_371 = arith.constant 32 : i32
    %dma_wait3A_372 = tpu.memref_slice %arg5[%add3A_342, %dma_wait3A_370, %dma_wait3A_371] : memref<4096x200x64xf32, #tpu.memory_space<hbm>> -> memref<2x200x32xf32, #tpu.memory_space<hbm>>
    %dma_wait3A_373 = tpu.memref_slice %arg10[%dma_wait3A_364] : memref<3x!tpu.dma_semaphore, #tpu.memory_space<semaphore_mem>> -> memref<1x!tpu.dma_semaphore, #tpu.memory_space<semaphore_mem>>
    %dma_wait3A_374 = tpu.memref_squeeze %dma_wait3A_373 : memref<1x!tpu.dma_semaphore, #tpu.memory_space<semaphore_mem>> -> memref<!tpu.dma_semaphore, #tpu.memory_space<semaphore_mem>>
    %dma_wait3A_375 = arith.constant 0 : i32
    %dma_wait3A_376 = arith.constant 32 : i32
    %dma_wait3A_377 = tpu.memref_slice %arg5[%add3A_342, %dma_wait3A_375, %dma_wait3A_376] : memref<4096x200x64xf32, #tpu.memory_space<hbm>> -> memref<2x200x32xf32, #tpu.memory_space<hbm>>
    %dma_wait3A_378 = arith.constant 0 : i32
    %dma_wait3A_379 = arith.constant 0 : i32
    %dma_wait3A_380 = arith.constant 0 : i32
    %dma_wait3A_381 = tpu.memref_slice %arg8[%dma_wait3A_363, %dma_wait3A_378, %dma_wait3A_379, %dma_wait3A_380] : memref<3x2x200x32xf32, #tpu.memory_space<vmem>> -> memref<1x2x200x32xf32, #tpu.memory_space<vmem>>
    %dma_wait3A_382 = tpu.memref_squeeze %dma_wait3A_381 : memref<1x2x200x32xf32, #tpu.memory_space<vmem>> -> memref<2x200x32xf32, #tpu.memory_space<vmem>>
    tpu.wait_dma2 semaphore(%dma_wait3A_374 : memref<!tpu.dma_semaphore, #tpu.memory_space<semaphore_mem>>) src(%dma_wait3A_382 : memref<2x200x32xf32, #tpu.memory_space<vmem>>) dst(%dma_wait3A_377 : memref<2x200x32xf32, #tpu.memory_space<hbm>>)
    %add3A_383 = arith.constant 126 : i32
    %add3A_384 = arith.addi %mul3A_2, %add3A_383 : i32
    %dma_wait3A_385 = arith.constant 0 : i32
    %dma_wait3A_386 = arith.constant 0 : i32
    %dma_wait3A_387 = arith.constant 0 : i32
    %dma_wait3A_388 = arith.constant 0 : i32
    %dma_wait3A_389 = arith.constant 0 : i32
    %dma_wait3A_390 = tpu.memref_slice %arg7[%dma_wait3A_385, %dma_wait3A_387, %dma_wait3A_388, %dma_wait3A_389] : memref<3x2x200x32xf32, #tpu.memory_space<vmem>> -> memref<1x2x200x32xf32, #tpu.memory_space<vmem>>
    %dma_wait3A_391 = tpu.memref_squeeze %dma_wait3A_390 : memref<1x2x200x32xf32, #tpu.memory_space<vmem>> -> memref<2x200x32xf32, #tpu.memory_space<vmem>>
    %dma_wait3A_392 = arith.constant 0 : i32
    %dma_wait3A_393 = arith.constant 0 : i32
    %dma_wait3A_394 = tpu.memref_slice %arg5[%add3A_384, %dma_wait3A_392, %dma_wait3A_393] : memref<4096x200x64xf32, #tpu.memory_space<hbm>> -> memref<2x200x32xf32, #tpu.memory_space<hbm>>
    %dma_wait3A_395 = tpu.memref_slice %arg10[%dma_wait3A_386] : memref<3x!tpu.dma_semaphore, #tpu.memory_space<semaphore_mem>> -> memref<1x!tpu.dma_semaphore, #tpu.memory_space<semaphore_mem>>
    %dma_wait3A_396 = tpu.memref_squeeze %dma_wait3A_395 : memref<1x!tpu.dma_semaphore, #tpu.memory_space<semaphore_mem>> -> memref<!tpu.dma_semaphore, #tpu.memory_space<semaphore_mem>>
    %dma_wait3A_397 = arith.constant 0 : i32
    %dma_wait3A_398 = arith.constant 0 : i32
    %dma_wait3A_399 = tpu.memref_slice %arg5[%add3A_384, %dma_wait3A_397, %dma_wait3A_398] : memref<4096x200x64xf32, #tpu.memory_space<hbm>> -> memref<2x200x32xf32, #tpu.memory_space<hbm>>
    %dma_wait3A_400 = arith.constant 0 : i32
    %dma_wait3A_401 = arith.constant 0 : i32
    %dma_wait3A_402 = arith.constant 0 : i32
    %dma_wait3A_403 = tpu.memref_slice %arg7[%dma_wait3A_385, %dma_wait3A_400, %dma_wait3A_401, %dma_wait3A_402] : memref<3x2x200x32xf32, #tpu.memory_space<vmem>> -> memref<1x2x200x32xf32, #tpu.memory_space<vmem>>
    %dma_wait3A_404 = tpu.memref_squeeze %dma_wait3A_403 : memref<1x2x200x32xf32, #tpu.memory_space<vmem>> -> memref<2x200x32xf32, #tpu.memory_space<vmem>>
    tpu.wait_dma2 semaphore(%dma_wait3A_396 : memref<!tpu.dma_semaphore, #tpu.memory_space<semaphore_mem>>) src(%dma_wait3A_404 : memref<2x200x32xf32, #tpu.memory_space<vmem>>) dst(%dma_wait3A_399 : memref<2x200x32xf32, #tpu.memory_space<hbm>>)
    %dma_wait3A_405 = arith.constant 0 : i32
    %dma_wait3A_406 = arith.constant 0 : i32
    %dma_wait3A_407 = arith.constant 0 : i32
    %dma_wait3A_408 = arith.constant 0 : i32
    %dma_wait3A_409 = arith.constant 0 : i32
    %dma_wait3A_410 = tpu.memref_slice %arg8[%dma_wait3A_405, %dma_wait3A_407, %dma_wait3A_408, %dma_wait3A_409] : memref<3x2x200x32xf32, #tpu.memory_space<vmem>> -> memref<1x2x200x32xf32, #tpu.memory_space<vmem>>
    %dma_wait3A_411 = tpu.memref_squeeze %dma_wait3A_410 : memref<1x2x200x32xf32, #tpu.memory_space<vmem>> -> memref<2x200x32xf32, #tpu.memory_space<vmem>>
    %dma_wait3A_412 = arith.constant 0 : i32
    %dma_wait3A_413 = arith.constant 32 : i32
    %dma_wait3A_414 = tpu.memref_slice %arg5[%add3A_384, %dma_wait3A_412, %dma_wait3A_413] : memref<4096x200x64xf32, #tpu.memory_space<hbm>> -> memref<2x200x32xf32, #tpu.memory_space<hbm>>
    %dma_wait3A_415 = tpu.memref_slice %arg10[%dma_wait3A_406] : memref<3x!tpu.dma_semaphore, #tpu.memory_space<semaphore_mem>> -> memref<1x!tpu.dma_semaphore, #tpu.memory_space<semaphore_mem>>
    %dma_wait3A_416 = tpu.memref_squeeze %dma_wait3A_415 : memref<1x!tpu.dma_semaphore, #tpu.memory_space<semaphore_mem>> -> memref<!tpu.dma_semaphore, #tpu.memory_space<semaphore_mem>>
    %dma_wait3A_417 = arith.constant 0 : i32
    %dma_wait3A_418 = arith.constant 32 : i32
    %dma_wait3A_419 = tpu.memref_slice %arg5[%add3A_384, %dma_wait3A_417, %dma_wait3A_418] : memref<4096x200x64xf32, #tpu.memory_space<hbm>> -> memref<2x200x32xf32, #tpu.memory_space<hbm>>
    %dma_wait3A_420 = arith.constant 0 : i32
    %dma_wait3A_421 = arith.constant 0 : i32
    %dma_wait3A_422 = arith.constant 0 : i32
    %dma_wait3A_423 = tpu.memref_slice %arg8[%dma_wait3A_405, %dma_wait3A_420, %dma_wait3A_421, %dma_wait3A_422] : memref<3x2x200x32xf32, #tpu.memory_space<vmem>> -> memref<1x2x200x32xf32, #tpu.memory_space<vmem>>
    %dma_wait3A_424 = tpu.memref_squeeze %dma_wait3A_423 : memref<1x2x200x32xf32, #tpu.memory_space<vmem>> -> memref<2x200x32xf32, #tpu.memory_space<vmem>>
    tpu.wait_dma2 semaphore(%dma_wait3A_416 : memref<!tpu.dma_semaphore, #tpu.memory_space<semaphore_mem>>) src(%dma_wait3A_424 : memref<2x200x32xf32, #tpu.memory_space<vmem>>) dst(%dma_wait3A_419 : memref<2x200x32xf32, #tpu.memory_space<hbm>>)
    return
  }
}

</mosaic_0001>

<sc_bundles>
// kernel: kernel.3.cloned.1.call-start
scs
__scs_entry_jumppad:
0x0: {  	(pc) =	sbr.rel $0x88, $3  }
0x1: {  	(tag) =	ssettag $0x0;
	lr =	simm.s32 $0x1  }
0x2: {  	[smem:$0x3F9E] =	sst lr;
	_ =	strace $0xD0000000  }
0x3: {  	_ = 	snop  }
0x4: {  	_ = 	snop  }
0x5: {  	_ = 	snop  }
0x6: {  	_ = 	snop  }
0x7: {  	_ = 	snop  }
__scs_overlays_trampoline_lowered:
0x8: {  	[smem:$0x3FAD] =	sst s0  }
0x9: {  	[smem:$0x3FAE] =	sst s1  }
0xa: {  	[smem:$0x3FAF] =	sst s2  }
0xb: {  	[smem:$0x3FB0] =	sst s3  }
0xc: {  	[smem:$0x3FB1] =	sst s4  }
0xd: {  	[smem:$0x3FB2] =	sst s5  }
0xe: {  	[smem:$0x3FB3] =	sst s6  }
0xf: {  	[smem:$0x3FB4] =	sst s7  }
0x10: {  	[smem:$0x3FB5] =	sst s8  }
0x11: {  	[smem:$0x3FB6] =	sst s9;
	s0 =	simm.s32 @!p0 $0x0  }
0x12: {  	s1 =	sld [smem:$0x3F9C];
	s0 =	simm.s32 @p0 $0x1  }
0x13: {  	[smem:$0x3FB7] =	sst s0;
	s0 =	simm.s32 @!p1 $0x0  }
0x14: {  	s2 =	sld [smem:$0x3F9B];
	s0 =	simm.s32 @p1 $0x1  }
0x15: {  	[smem:$0x3FB8] =	sst s0;
	s0 =	simm.s32 @!p2 $0x0  }
0x16: {  	s3 =	sld [smem:$0x3FDB];
	s0 =	simm.s32 @p2 $0x1  }
0x17: {  	s4 =	simm.s32 $0x1BF5;
	[smem:$0x3FBA] =	sst s0  }
0x18: {  	s0 =	sld [smem:$0x3F9D];
	_ =	swait.ge [sflag:s4], $0x0  }
0x19: {  	s7 =	sld [smem:$0x3F9E]  }
0x1a: {  	s8 =	sadd.s32 $0xFFFFE003, lr  }
0x1b: {  	s9 =	sadd.s32 $0xFFFFFEF7, lr;
	s5 =	simm.s32 $0xFFFFFFFF;
	p2 =	slt.u32 s8, $0xFFFFF086  }
0x1c: {  	p1 =	slt.u32 s9, $0xF7A;
	s5 =	simm.s32 @!p2 $0x0  }
0x1d: {  	s5 =	simm.s32 @p1 $0x1;
	p0 =	seq.s32 s7, s2  }
0x1e: {  	s7 =	smul.u32 @!p0 $0xF7A, s2;
	p2 =	seq.s32 @!p0 s5, $0x0  }
0x1f: {  	s9 =	smul.u32 $0xF7A, s1;
	s8 =	simm.s32 @!p0 $0x1BF5;
	p2 =	por !p2, p0  }
0x20: {  	[sflag:s8] =	ssyncset.s32 @!p0 $0xFFFFF086;
	s6 =	sadd.s32 @!p0 s3, s7;
	s7 =	simm.s32 @!p0 $0x108  }
0x21: {  	s3 =	sadd.s32 s3, s9;
	s6 =	sadd.s32 @!p0 $0x88, s6;
	s7 =	simm.s32 @p2 $0x1082  }
0x22: {  	[simem:s7], [sflag:s8] =	dma.local @!p0 [hbm:s6], $0xF7A  }
0x23: {  	s9 =	sor.u32 $0xD0000000, s2;
	s6 =	simm.s32 $0x108;
	_ =	swait.ge @!p0 [sflag:s8], $0x0  }
0x24: {  	s3 =	sadd.s32 $0x88, s3;
	s6 =	simm.s32 @!p1 $0x1082;
	[sflag:s4] =	ssyncset.s32 $0xFFFFF086  }
0x25: {  	[simem:s6], [sflag:s4] =	dma.local [hbm:s3], $0xF7A  }
0x26: {  	[smem:$0x3F9E] =	sst s1;
	(tag) =	ssettag s2;
	_ =	strace s9  }
0x27: {  	s1 =	sld [smem:$0x3FAE]  }
0x28: {  	s2 =	sld [smem:$0x3FAF]  }
0x29: {  	s4 =	sld [smem:$0x3FB1]  }
0x2a: {  	p0 =	seq.s32 s5, $0x0;
	s5 =	sld [smem:$0x3FB2]  }
0x2b: {  	s6 =	sld [smem:$0x3FB3]  }
0x2c: {  	s7 =	sld [smem:$0x3FB4]  }
0x2d: {  	s3 =	simm.s32 $0x108;
	s8 =	sld [smem:$0x3FB5]  }
0x2e: {  	s3 =	simm.s32 @!p0 $0x1082;
	s9 =	sld [smem:$0x3FB6]  }
0x2f: {  	lr =	sadd.s32 s0, s3;
	s0 =	sld [smem:$0x3FAD]  }
0x30: {  	s3 =	sld [smem:$0x3FB0]  }
0x31: {  	[smem:$0x3FB9] =	sst s10  }
0x32: {  	s10 =	sld [smem:$0x3FB7];
	_ =	sdelay $0x3  }
0x33: {  	p0 =	seq.s32 s10, $0x1;
	s10 =	sld [smem:$0x3FB9];
	_ =	sdelay $0x3  }
0x34: {  	[smem:$0x3FB9] =	sst s10  }
0x35: {  	s10 =	sld [smem:$0x3FB8];
	_ =	sdelay $0x3  }
0x36: {  	p1 =	seq.s32 s10, $0x1;
	s10 =	sld [smem:$0x3FB9];
	_ =	sdelay $0x3  }
0x37: {  	[smem:$0x3FB9] =	sst s10  }
0x38: {  	s10 =	sld [smem:$0x3FBA]  }
0x39: {  	_ = 	snop;
	(pc) =	sbr.ind lr, $3  }
0x3a: {  	_ = 	snop  }
0x3b: {  	_ = 	snop  }
0x3c: {  	p2 =	seq.s32 s10, $0x1;
	s10 =	sld [smem:$0x3FB9]  }
0x3d: {  	_ =	shalt  }
0x3e: {  	_ =	shalt  }
0x3f: {  	_ =	shalt  }
0x40: {  	_ =	shalt  }
0x41: {  	_ =	shalt  }
0x42: {  	_ =	shalt  }
0x43: {  	_ =	shalt  }
0x44: {  	_ =	shalt  }
0x45: {  	_ =	shalt  }
0x46: {  	_ =	shalt  }
0x47: {  	_ =	shalt  }
0x48: {  	_ =	shalt  }
0x49: {  	_ =	shalt  }
0x4a: {  	_ =	shalt  }
0x4b: {  	_ =	shalt  }
0x4c: {  	_ =	shalt  }
0x4d: {  	_ =	shalt  }
0x4e: {  	_ =	shalt  }
0x4f: {  	_ =	shalt  }
0x50: {  	_ =	shalt  }
0x51: {  	_ =	shalt  }
0x52: {  	_ =	shalt  }
0x53: {  	_ =	shalt  }
0x54: {  	_ =	shalt  }
0x55: {  	_ =	shalt  }
0x56: {  	_ =	shalt  }
0x57: {  	_ =	shalt  }
0x58: {  	_ =	shalt  }
0x59: {  	_ =	shalt  }
0x5a: {  	_ =	shalt  }
0x5b: {  	_ =	shalt  }
0x5c: {  	_ =	shalt  }
0x5d: {  	_ =	shalt  }
0x5e: {  	_ =	shalt  }
0x5f: {  	_ =	shalt  }
0x60: {  	_ =	shalt  }
0x61: {  	_ =	shalt  }
0x62: {  	_ =	shalt  }
0x63: {  	_ =	shalt  }
0x64: {  	_ =	shalt  }
0x65: {  	_ =	shalt  }
0x66: {  	_ =	shalt  }
0x67: {  	_ =	shalt  }
0x68: {  	_ =	shalt  }
0x69: {  	_ =	shalt  }
0x6a: {  	_ =	shalt  }
0x6b: {  	_ =	shalt  }
0x6c: {  	_ =	shalt  }
0x6d: {  	_ =	shalt  }
0x6e: {  	_ =	shalt  }
0x6f: {  	_ =	shalt  }
0x70: {  	_ =	shalt  }
0x71: {  	_ =	shalt  }
0x72: {  	_ =	shalt  }
0x73: {  	_ =	shalt  }
0x74: {  	_ =	shalt  }
0x75: {  	_ =	shalt  }
0x76: {  	_ =	shalt  }
0x77: {  	_ =	shalt  }
0x78: {  	_ =	shalt  }
0x79: {  	_ =	shalt  }
0x7a: {  	_ =	shalt  }
0x7b: {  	_ =	shalt  }
0x7c: {  	_ =	shalt  }
0x7d: {  	_ =	shalt  }
0x7e: {  	_ =	shalt  }
0x7f: {  	_ =	shalt  }
0x80: {  	_ =	shalt  }
0x81: {  	_ =	shalt  }
0x82: {  	_ =	shalt  }
0x83: {  	_ =	shalt  }
0x84: {  	_ =	shalt  }
0x85: {  	_ =	shalt  }
0x86: {  	_ =	shalt  }
0x87: {  	_ =	shalt  }
.Lfunc_end0:
.L_simem_size_0:
called_computation.1_lowered:
.L_overlay_start_0:
0x88: {  	s2 =	sld [smem:$0x3FD9]  }
0x89: {  	s3 =	sld [smem:$0x3FFE];
	_ =	sdelay $0x1  }
0x8a: {  	s1 =	srdreg.scid  }
0x8b: {  	s0 =	sand.u32 $0x1, s1  }
0x8c: {  	s17 =	sshll.u32 s0, $0xA;
	s2 =	sadd.s32 s3, s2  }
0x8d: {  	s2 =	sadd.s32 s2, s17  }
0x8e: {  	[smem:$0x3FC5] =	sst s2  }
0x8f: {  	_ = 	snop  }
0x90: {  	s2 =	sld [smem:$0x3FD0];
	(tm) =	ssettm $0x1  }
0x91: {  	s18 =	sld [smem:$0x3FFB];
	_ =	sdelay $0x3  }
0x92: {  	_ =	strace s18  }
0x93: {  	s3 =	sld [smem:$0x3FFC];
	_ =	sdelay $0x3  }
0x94: {  	_ =	strace s3  }
0x95: {  	s3 =	sld [smem:$0x3FFD];
	_ =	sdelay $0x3  }
0x96: {  	_ =	strace s3  }
0x97: {  	_ =	strace $0x8FFFFFFF  }
0x98: {  	s19 =	sld [smem:$0x3FDB];
	_ =	sdelay $0x1  }
0x99: {  	s4 =	simm.s32 $_scs_section_size  }
0x9a: {  	s5 =	simm.s32 $_size__tile_overlayer_lowered;
	s6 =	simm.s32 $_tile_overlayer_lowered  }
0x9b: {  	s22 =	simm.s32 $0x1BFF;
	s21 =	sshll.u32 s6, $0x1;
	s3 =	sadd.s32 s4, s19  }
0x9c: {  	s7 =	simm.s32 $0x0;
	s20 =	sshll.u32 s5, $0x1;
	s5 =	sadd.s32 s21, s3  }
0x9d: {  	[timem:s7], [sflag:s22] =	dma.local [hbm:s5], s20  }
0x9e: {  	_ =	swait.ge [sflag:s22], s20  }
0x9f: {  	s4 =	ssub.s32 $0x0, s20;
	[sflag:s22] =	ssyncset.done $0x0  }
0xa0: {  	[sflag:s22] =	ssyncadd.s32 s4;
	_ =	sdelay $0x1  }
0xa1: {  	s23 =	simm.s32 $0x1B8B  }
0xa2: {  	_ =	swait.ge [sflag:s23], $0x1  }
0xa3: {  	[sflag:s23] =	ssyncset.done $0x0  }
0xa4: {  	s25 =	simm.s32 $0x1B8E;
	s24 =	sld [smem:$0x3FFE];
	[sflag:s23] =	ssyncadd.s32 $0xFFFFFFFF  }
0xa5: {  	s26 =	simm.s32 $execute0_lowered;
	[smem:$0x3FD2] =	sst s25  }
0xa6: {  	s5 =	sshll.u32 s26, $0x1;
	_ =	strace $0x80000046;
	[dreg:$0x1] =	wrdreg $0xFFFFFFFF  }
0xa7: {  	s28 =	simm.s32 $_size_execute0_lowered;
	s3 =	sadd.s32 s3, s5;
	[dreg:$0x0] =	wrdreg $0x0  }
0xa8: {  	s5 =	sshll.u32 s28, $0x1;
	[dreg:$0x2] =	wrdreg s3  }
0xa9: {  	[dreg:$0x3] =	wrdreg s5  }
0xaa: {  	[dreg:$0x4] =	wrdreg $0xC0  }
0xab: {  	_ =	task [dreg:s7], $0x5FFFF  }
0xac: {  	[dreg:$0x1] =	wrdreg $0xFFFFFFFF  }
0xad: {  	[dreg:$0x0] =	wrdreg $0x60  }
0xae: {  	[dreg:$0x2] =	wrdreg s24  }
0xaf: {  	[dreg:$0x3] =	wrdreg s2  }
0xb0: {  	[dreg:$0x4] =	wrdreg $0x9  }
0xb1: {  	_ =	task.clear_ibuf [dreg:s7], $0x5FFFF;
	_ =	strace $0x90000046  }
0xb2: {  	s29 =	simm.s32 $0x9;
	_ =	strace $0x80000048  }
0xb3: {  	_ =	swait.ge [sflag:s29], $0x1  }
0xb4: {  	[sflag:s29] =	ssyncadd.s32 $0xFFFFFFFF  }
0xb5: {  	_ =	strace $0x90000048  }
0xb6: {  	_ =	sfence  }
0xb7: {  	s30 =	sld [smem:$0x0];
	_ =	sdelay $0x2  }
0xb8: {  	s31 =	sshll.u32 s1, $0xD;
	s1 =	sshrl.u32 s1, $0x2  }
0xb9: {  	s3 =	sand.u32 $0x4000, s31;
	s1 =	sadd.s32 s1, s30  }
0xba: {  	s0 =	sor.u32 s3, s0;
	s1 =	sshll.u32 s1, $0x11  }
0xbb: {  	s0 =	sor.u32 s1, s0  }
0xbc: {  	s0 =	sadd.s32 $0x8F2B, s0  }
0xbd: {  	[sflag:s0] =	ssyncadd.remote.s32 $0x1  }
0xbe: {  	_ =	sfence.sel $0xFFFF  }
0xbf: {  	[dreg:$0x0] =	wrdreg $0xFFFFFFFF;
	(pc) =	sbr.abs _section_cstart, $3  }
0xc0: {  	[dreg:$0x1] =	wrdreg $0xFFFFFFFF  }
0xc1: {  	_ =	task.clear_ibuf [dreg:s7], $0x2FFFF;
	_ =	strace $0x9FFFFFFF  }
0xc2: {  	(tm) =	ssettm $0x7FFFFFFF  }
0xc3: {  	_ =	shalt  }
tec
execute0_lowered:
.L_overlay_start_1:
0x0: {  	(tag) =	ssettag $0x1  }
0x1: {  	s0 =	srdreg.scid;
	s1 =	rddreg [dreg:$0x0]  }
0x2: {  	s2 =	stileid.u32;
	s6 =	rddreg [dreg:$0x1]  }
0x3: {  	s5 =	simm.s32 $0x0;
	s15 =	simm.s32 $0x48;
	s23 =	simm.s32 $0x20  }
0x4: {  	s24 =	simm.s32 $0x40;
	s29 =	simm.s32 $0x4;
	s30 =	simm.s32 $0x0  }
0x5: {  	s0 =	sand.u32 $0x1, s0;
	s3 =	sshll.u32 s2, $0x8;
	s7 =	smul.u32 $0x3200, s2  }
0x6: {  	[smem:$0x7FF] =	sst s5;
	s8 =	sadd.s32 $0x2800, s1;
	s12 =	smul.u32 $0x64000, s2  }
0x7: {  	s4 =	sshll.u32 s0, $0x7;
	_ =	strace $0x80000047;
	s10 =	smul.u32 $0x1900, s0  }
0x8: {  	s9 =	ssub.s32 $0x2, s0;
	s0 =	smul.u32 $0x32000, s0;
	s3 =	sor.u32 s4, s3  }
0x9: {  	s11 =	sshrl.u32 s9, $0x1;
	s4 =	sadd.s32 $0x96400, s1;
	s7 =	sadd.s32 s7, s8  }
0xa: {  	s6 =	sadd.s32 s12, s6;
	s25 =	smul.u32 $0x32, s3;
	s26 =	ssub.s32 s9, s11  }
0xb: {  	s3 =	sadd.s32 $0x34800, s1;
	s7 =	sadd.s32 s10, s7;
	s1 =	smax.u32 s26, $0x1  }
0xc: {  	s0 =	sadd.s32 s0, s6;
	s31 =	sadd.s32 $0xC8, s7;
	[dreg:$0x5] =	wrdreg s1  }
0xd: {  	s11 =	simm.s32 $0x80;
	s28 =	sadd.s32 s8, s25;
	[dreg:$0x6] =	wrdreg s31  }
0xe: {  	s14 =	sadd.s32 $0x4, s0;
	[dreg:$0x3] =	wrdreg s28;
	s2 =	sadd.s32 $0x64, s28  }
0xf: {  	s26 =	simm.s32 $0x6;
	s25 =	simm.s32 $0x5;
	[dreg:$0x4] =	wrdreg s2  }
.LBB2_1:
0x10: {  	s0 =	simm.s32 $0x0;
	s1 =	rddreg [dreg:$0x3];
	s2 =	simm.s32 $0x7  }
0x11: {  	[tilespmem:s0], [sflag:$0x7] =	stream.linear.gather [hbm4b:s1+s0], $0x320, $0x38;
	[tilespmem:$0x13560] =	vst v63  }
0x12: {  	_ =	swait.ge [sflag:s2], $0x320  }
0x13: {  	[sflag:s2] =	ssyncset.done $0x0  }
0x14: {  	s6 =	simm.s32 $0x960;
	[sflag:s2] =	ssyncadd.s32 $0xFFFFFCE0  }
0x15: {  	[tilespmem:s6], [sflag:$0x1] =	stream.indirect.gather [hbm4b:s3+s11], $0x20, s0, s11, $0xb8;
	[tilespmem:$0x13560] =	vst v63  }
0x16: {  	s7 =	simm.s32 $0xC8;
	s5 =	simm.s32 $0x9F60  }
0x17: {  	[tilespmem:s5], [sflag:$0x1] =	stream.indirect.gather [hbm4b:s4+s11], $0x20, s7, s11, $0xb8;
	[tilespmem:$0x13560] =	vst v63  }
0x18: {  	s8 =	simm.s32 $0x1960  }
0x19: {  	[tilespmem:s8], [sflag:$0x1] =	stream.indirect.gather [hbm4b:s3+s15], $0x20, s11, s15, $0xb8;
	[tilespmem:$0x13560] =	vst v63  }
0x1a: {  	s9 =	simm.s32 $0x148;
	s10 =	simm.s32 $0xAF60  }
0x1b: {  	[tilespmem:s10], [sflag:$0x1] =	stream.indirect.gather [hbm4b:s4+s15], $0x20, s9, s15, $0xb8;
	[tilespmem:$0x13560] =	vst v63  }
0x1c: {  	s12 =	simm.s32 $0x190;
	s13 =	simm.s32 $0x2260  }
0x1d: {  	[tilespmem:s13], [sflag:$0x1] =	stream.indirect.gather [hbm4b:s3+s11], $0x20, s12, s11, $0xb8;
	[tilespmem:$0x13560] =	vst v63  }
0x1e: {  	s16 =	simm.s32 $0x258;
	s17 =	simm.s32 $0xB860  }
0x1f: {  	[tilespmem:s17], [sflag:$0x1] =	stream.indirect.gather [hbm4b:s4+s11], $0x20, s16, s11, $0xb8;
	[tilespmem:$0x13560] =	vst v63  }
0x20: {  	s18 =	simm.s32 $0x210;
	s19 =	simm.s32 $0x3260  }
0x21: {  	[tilespmem:s19], [sflag:$0x1] =	stream.indirect.gather [hbm4b:s3+s15], $0x20, s18, s15, $0xb8;
	[tilespmem:$0x13560] =	vst v63  }
0x22: {  	s20 =	simm.s32 $0x2D8;
	s21 =	simm.s32 $0xC860  }
0x23: {  	[tilespmem:s21], [sflag:$0x1] =	stream.indirect.gather [hbm4b:s4+s15], $0x20, s20, s15, $0xb8;
	[tilespmem:$0x13560] =	vst v63  }
0x24: {  	s28 =	simm.s32 $0x320;
	s22 =	rddreg [dreg:$0x4]  }
0x25: {  	[tilespmem:s28], [sflag:$0x7] =	stream.linear.gather [hbm4b:s22+s0], $0x320, $0x38;
	[tilespmem:$0x13560] =	vst v63  }
0x26: {  	_ =	swait.ge [sflag:s2], $0x320  }
0x27: {  	[sflag:s2] =	ssyncset.done $0x0  }
0x28: {  	s19 =	simm.s32 $0x0;
	[sflag:s2] =	ssyncadd.s32 $0xFFFFFCE0;
	s2 =	simm.s32 $0x3B60  }
0x29: {  	[tilespmem:s2], [sflag:$0x2] =	stream.indirect.gather [hbm4b:s3+s11], $0x20, s28, s11, $0xb8;
	[tilespmem:$0x13560] =	vst v63  }
0x2a: {  	s6 =	simm.s32 $0x3E8;
	s7 =	simm.s32 $0xD160;
	s0 =	smul.u32 $0xAB, s19  }
0x2b: {  	[tilespmem:s7], [sflag:$0x2] =	stream.indirect.gather [hbm4b:s4+s11], $0x20, s6, s11, $0xb8;
	[tilespmem:$0x13560] =	vst v63  }
0x2c: {  	s8 =	simm.s32 $0x3A0;
	s9 =	simm.s32 $0x4B60;
	s0 =	sshrl.u32 s0, $0x9  }
0x2d: {  	[tilespmem:s9], [sflag:$0x2] =	stream.indirect.gather [hbm4b:s3+s15], $0x20, s8, s15, $0xb8;
	[tilespmem:$0x13560] =	vst v63  }
0x2e: {  	s10 =	simm.s32 $0x468;
	s12 =	simm.s32 $0xE160;
	s0 =	sand.u32 $0x7F, s0  }
0x2f: {  	[tilespmem:s12], [sflag:$0x2] =	stream.indirect.gather [hbm4b:s4+s15], $0x20, s10, s15, $0xb8;
	[tilespmem:$0x13560] =	vst v63  }
0x30: {  	s13 =	simm.s32 $0x4B0;
	s16 =	simm.s32 $0x5460;
	s0 =	smul.u32 $0x3, s0  }
0x31: {  	[tilespmem:s16], [sflag:$0x2] =	stream.indirect.gather [hbm4b:s3+s11], $0x20, s13, s11, $0xb8;
	[tilespmem:$0x13560] =	vst v63  }
0x32: {  	s17 =	simm.s32 $0x578;
	s18 =	simm.s32 $0xEA60;
	s0 =	ssub.s32 $0x0, s0  }
0x33: {  	[tilespmem:s18], [sflag:$0x2] =	stream.indirect.gather [hbm4b:s4+s11], $0x20, s17, s11, $0xb8;
	[tilespmem:$0x13560] =	vst v63  }
0x34: {  	s20 =	simm.s32 $0x530;
	s21 =	simm.s32 $0x6460;
	s18 =	sand.u32 $0xFF, s0  }
0x35: {  	[tilespmem:s21], [sflag:$0x2] =	stream.indirect.gather [hbm4b:s3+s15], $0x20, s20, s15, $0xb8;
	[tilespmem:$0x13560] =	vst v63  }
0x36: {  	s22 =	simm.s32 $0x5F8;
	s28 =	simm.s32 $0xFA60;
	s19 =	sadd.s32 $0x1, s18  }
0x37: {  	[tilespmem:s28], [sflag:$0x2] =	stream.indirect.gather [hbm4b:s4+s15], $0x20, s22, s15, $0xb8;
	[tilespmem:$0x13560] =	vst v63  }
0x38: {  	_ =	swait.ge [sflag:s19], $0x1000  }
0x39: {  	[sflag:s19] =	ssyncset.done $0x0  }
0x3a: {  	[sflag:s19] =	ssyncadd.s32 $0xFFFFF000  }
0x3b: {  	_ =	swait.ge [sflag:s19], $0x1000  }
0x3c: {  	[sflag:s19] =	ssyncset.done $0x0  }
0x3d: {  	[sflag:s19] =	ssyncadd.s32 $0xFFFFF000  }
0x3e: {  	_ =	swait.ge [sflag:s19], $0x900  }
0x3f: {  	[sflag:s19] =	ssyncset.done $0x0  }
0x40: {  	p0 =	por $0x0, $0x0;
	s0 =	simm.s32 $0x2;
	[sflag:s19] =	ssyncadd.s32 $0xFFFFF700  }
0x41: {  	s0 =	smul.u32 @!p0 $0xAB, s0;
	_ =	swait.ge [sflag:s19], $0x900  }
0x42: {  	[sflag:s19] =	ssyncset.done $0x0  }
0x43: {  	s1 =	simm.s32 $0x3;
	s0 =	sshrl.u32 @!p0 s0, $0x9;
	[sflag:s19] =	ssyncadd.s32 $0xFFFFF700  }
0x44: {  	s0 =	sand.u32 @!p0 $0x7F, s0;
	p0 =	por p0, p0;
	_ =	swait.ge [sflag:s19], $0x1000  }
0x45: {  	s7 =	sadd.s32 $0xFFFFFFFC, s14;
	s0 =	smul.u32 @!p0 $0x3, s0;
	[sflag:s19] =	ssyncset.done $0x0  }
0x46: {  	s9 =	smov.u32 s14;
	s12 =	simm.s32 $0x4;
	[sflag:s19] =	ssyncadd.s32 $0xFFFFF000  }
0x47: {  	s22 =	smul.u32 $0x3200, s18;
	s0 =	ssub.s32 @!p0 $0x2, s0;
	_ =	swait.ge [sflag:s19], $0x1000  }
0x48: {  	p1 =	por @!p0 $0x1, $0x1;
	s21 =	sand.u32 @!p0 $0xFF, s0;
	[sflag:s19] =	ssyncset.done $0x0  }
0x49: {  	p2 =	por p1, p0;
	s0 =	smul.u32 @!p0 $0xC80, s21;
	[sflag:s19] =	ssyncadd.s32 $0xFFFFF000  }
0x4a: {  	s6 =	sadd.s32 @!p2 $0x4, s21;
	s17 =	smul.u32 @!p0 $0x3200, s21;
	_ =	swait.ge [sflag:s19], $0x900  }
0x4b: {  	s16 =	sshrl.u32 @!p0 s0, $0x2;
	[sflag:s19] =	ssyncset.done $0x0;
	s31 =	rddreg [dreg:$0x6]  }
0x4c: {  	s0 =	smov.u32 s14;
	[sflag:s19] =	ssyncadd.s32 $0xFFFFF700;
	s8 =	smov.u32 s31  }
.LBB2_2:
0x4d: {  	s8 =	sadd.s32 $0x64, s8  }
0x4e: {  	s9 =	sadd.s32 $0xC80, s9;
	s20 =	smov.u32 s12;
	s12 =	sadd.s32 $0x1, s12  }
0x4f: {  	_ =	swait.ge [sflag:s19], $0x900;
	s5 =	sadd.s32 @!p0 $0x960, s17;
	s28 =	sadd.s32 @!p0 $0x9F60, s17  }
0x50: {  	s2 =	sadd.s32 @!p0 $0x1960, s17;
	s13 =	sadd.s32 @!p0 $0xAF60, s17;
	[sflag:s19] =	ssyncset.done $0x0  }
0x51: {  	s18 =	sor.u32 $0x4, s18;
	[sflag:s19] =	ssyncadd.s32 $0xFFFFF700;
	s19 =	sadd.s32 $0x960, s22  }
0x52: {  	[hbm4b:s7+s23] =	stream.strided.scatter [tilespmem:s19], [sflag:s18], $0x3200, s24, s23, $0x38;
	[tilespmem:$0x13560] =	vst v63  }
0x53: {  	p1 =	sne.s32 s12, $0x42;
	s7 =	sadd.s32 $0x9F60, s22  }
0x54: {  	[hbm4b:s0+s23] =	stream.strided.scatter [tilespmem:s7], [sflag:s18], $0x3200, s24, s23, $0x38;
	[tilespmem:$0x13560] =	vst v63  }
0x55: {  	s0 =	smov.u32 s9;
	_ =	swait.ge @!p2 [sflag:s6], $0x3200  }
0x56: {  	s22 =	sadd.s32 @!p0 $0xC860, s17;
	s7 =	sadd.s32 @!p0 $0xB860, s17;
	[sflag:s6] =	ssyncset.done @!p2 $0x0  }
0x57: {  	[sflag:s6] =	ssyncadd.s32 @!p2 $0xFFFFCE00  }
0x58: {  	s21 =	sadd.s32 @!p0 $0x1, s21;
	s18 =	simm.s32 @!p0 $0x80;
	_ =	swait.ge @!p2 [sflag:s6], $0x3200  }
0x59: {  	s10 =	simm.s32 @!p0 $0x7;
	s19 =	simm.s32 @!p0 $0x0;
	[sflag:s6] =	ssyncset.done @!p2 $0x0  }
0x5a: {  	[sflag:s6] =	ssyncadd.s32 @!p2 $0xFFFFCE00  }
0x5b: {  	[tilespmem:s16], [sflag:$0x7] =	stream.linear.gather @!p0 [hbm4b:s31+s19], $0x320, $0x38;
	[tilespmem:$0x13560] =	vst v63  }
0x5c: {  	s31 =	smov.u32 s8;
	_ =	swait.ge @!p0 [sflag:s10], $0x320  }
0x5d: {  	[sflag:s10] =	ssyncset.done @!p0 $0x0  }
0x5e: {  	s6 =	sadd.s32 $0xFFFFFFFE, s1;
	[sflag:s10] =	ssyncadd.s32 @!p0 $0xFFFFFCE0  }
0x5f: {  	[tilespmem:s5], [sflag:s21] =	stream.indirect.gather @!p0 [hbm4b:s3+s18], $0x20, s16, s18, $0xb8;
	[tilespmem:$0x13560] =	vst v63  }
0x60: {  	s10 =	sadd.s32 @!p0 $0xC8, s16;
	s5 =	smul.u32 $0xAB, s6  }
0x61: {  	[tilespmem:s28], [sflag:s21] =	stream.indirect.gather @!p0 [hbm4b:s4+s18], $0x20, s10, s18, $0xb8;
	[tilespmem:$0x13560] =	vst v63  }
0x62: {  	s5 =	sshrl.u32 s5, $0x9;
	s10 =	sadd.s32 @!p0 $0x80, s16;
	s28 =	simm.s32 @!p0 $0x48  }
0x63: {  	[tilespmem:s2], [sflag:s21] =	stream.indirect.gather @!p0 [hbm4b:s3+s28], $0x20, s10, s28, $0xb8;
	[tilespmem:$0x13560] =	vst v63  }
0x64: {  	s2 =	sand.u32 $0x7F, s5;
	s5 =	sadd.s32 @!p0 $0x148, s16  }
0x65: {  	[tilespmem:s13], [sflag:s21] =	stream.indirect.gather @!p0 [hbm4b:s4+s28], $0x20, s5, s28, $0xb8;
	[tilespmem:$0x13560] =	vst v63  }
0x66: {  	s10 =	sadd.s32 @!p0 $0x190, s16;
	s2 =	smul.u32 $0x3, s2;
	s5 =	sadd.s32 @!p0 $0x2260, s17  }
0x67: {  	[tilespmem:s5], [sflag:s21] =	stream.indirect.gather @!p0 [hbm4b:s3+s18], $0x20, s10, s18, $0xb8;
	[tilespmem:$0x13560] =	vst v63  }
0x68: {  	p2 =	sgt.u32 s6, $0x3D;
	s2 =	ssub.s32 s6, s2;
	s5 =	sadd.s32 @!p0 $0x258, s16  }
0x69: {  	[tilespmem:s7], [sflag:s21] =	stream.indirect.gather @!p0 [hbm4b:s4+s18], $0x20, s5, s18, $0xb8;
	[tilespmem:$0x13560] =	vst v63  }
0x6a: {  	s18 =	sand.u32 $0xFF, s2;
	s2 =	sadd.s32 @!p0 $0x3260, s17;
	s5 =	sadd.s32 @!p0 $0x210, s16  }
0x6b: {  	[tilespmem:s2], [sflag:s21] =	stream.indirect.gather @!p0 [hbm4b:s3+s28], $0x20, s5, s28, $0xb8;
	[tilespmem:$0x13560] =	vst v63  }
0x6c: {  	s19 =	sadd.s32 $0x1, s18;
	s2 =	smul.u32 @!p2 $0xAB, s1;
	s5 =	sadd.s32 @!p0 $0x2D8, s16  }
0x6d: {  	[tilespmem:s22], [sflag:s21] =	stream.indirect.gather @!p0 [hbm4b:s4+s28], $0x20, s5, s28, $0xb8;
	[tilespmem:$0x13560] =	vst v63  }
0x6e: {  	s22 =	smul.u32 $0x3200, s18;
	s2 =	sshrl.u32 @!p2 s2, $0x9;
	_ =	swait.ge [sflag:s19], $0x1000  }
0x6f: {  	p0 =	por p2, p2;
	s2 =	sand.u32 @!p2 $0x7F, s2;
	[sflag:s19] =	ssyncset.done $0x0  }
0x70: {  	s2 =	smul.u32 @!p0 $0x3, s2;
	[sflag:s19] =	ssyncadd.s32 $0xFFFFF000  }
0x71: {  	_ =	swait.ge [sflag:s19], $0x1000  }
0x72: {  	[sflag:s19] =	ssyncset.done $0x0  }
0x73: {  	s2 =	ssub.s32 @!p0 s1, s2;
	[sflag:s19] =	ssyncadd.s32 $0xFFFFF000  }
0x74: {  	p2 =	seq.s32 @!p0 s1, $0x2;
	s21 =	sand.u32 @!p0 $0xFF, s2;
	_ =	swait.ge [sflag:s19], $0x900  }
0x75: {  	p2 =	por p2, p0;
	s1 =	smov.u32 s20;
	[sflag:s19] =	ssyncset.done $0x0  }
0x76: {  	s6 =	sadd.s32 @!p2 $0x4, s21;
	s2 =	smul.u32 @!p0 $0xC80, s21;
	[sflag:s19] =	ssyncadd.s32 $0xFFFFF700  }
0x77: {  	_ =	swait.ge [sflag:s19], $0x900  }
0x78: {  	[sflag:s19] =	ssyncset.done $0x0  }
0x79: {  	[sflag:s19] =	ssyncadd.s32 $0xFFFFF700  }
0x7a: {  	_ =	swait.ge [sflag:s19], $0x1000  }
0x7b: {  	[sflag:s19] =	ssyncset.done $0x0  }
0x7c: {  	[sflag:s19] =	ssyncadd.s32 $0xFFFFF000  }
0x7d: {  	_ =	swait.ge [sflag:s19], $0x1000  }
.Ltmp0:
0x7e: {  	[sflag:s19] =	ssyncset.done $0x0;
	(pc) =	sbr.rel @p1 .LBB2_2-.Ltmp0, $4  }
0x7f: {  	[sflag:s19] =	ssyncadd.s32 $0xFFFFF000  }
0x80: {  	_ =	swait.ge [sflag:s19], $0x900  }
0x81: {  	s7 =	sadd.s32 $0xFFFFFFFC, s9;
	[sflag:s19] =	ssyncset.done $0x0  }
0x82: {  	s17 =	smul.u32 @!p0 $0x3200, s21;
	s16 =	sshrl.u32 @!p0 s2, $0x2;
	[sflag:s19] =	ssyncadd.s32 $0xFFFFF700  }
0x83: {  	_ =	swait.ge [sflag:s19], $0x900  }
0x84: {  	[sflag:s19] =	ssyncset.done $0x0  }
0x85: {  	s2 =	sor.u32 $0x4, s18;
	s5 =	sadd.s32 $0x960, s22;
	[sflag:s19] =	ssyncadd.s32 $0xFFFFF700  }
0x86: {  	[hbm4b:s7+s23] =	stream.strided.scatter [tilespmem:s5], [sflag:s2], $0x3200, s24, s23, $0x38;
	[tilespmem:$0x13560] =	vst v63  }
0x87: {  	s28 =	sadd.s32 $0x9F60, s22  }
0x88: {  	[hbm4b:s0+s23] =	stream.strided.scatter [tilespmem:s28], [sflag:s2], $0x3200, s24, s23, $0x38;
	[tilespmem:$0x13560] =	vst v63  }
0x89: {  	_ =	swait.ge @!p2 [sflag:s6], $0x3200  }
0x8a: {  	[sflag:s6] =	ssyncset.done @!p2 $0x0  }
0x8b: {  	[sflag:s6] =	ssyncadd.s32 @!p2 $0xFFFFCE00  }
0x8c: {  	_ =	swait.ge @!p2 [sflag:s6], $0x3200  }
0x8d: {  	[sflag:s6] =	ssyncset.done @!p2 $0x0  }
0x8e: {  	s0 =	simm.s32 @!p0 $0x0;
	s2 =	simm.s32 @!p0 $0x7;
	[sflag:s6] =	ssyncadd.s32 @!p2 $0xFFFFCE00  }
0x8f: {  	[tilespmem:s16], [sflag:$0x7] =	stream.linear.gather @!p0 [hbm4b:s31+s0], $0x320, $0x38;
	[tilespmem:$0x13560] =	vst v63  }
0x90: {  	s10 =	sadd.s32 $0xFFFFFFFE, s1;
	_ =	swait.ge @!p0 [sflag:s2], $0x320  }
0x91: {  	s7 =	simm.s32 @!p0 $0x80;
	s6 =	sadd.s32 @!p0 $0x1, s21;
	[sflag:s2] =	ssyncset.done @!p0 $0x0  }
0x92: {  	s0 =	sadd.s32 @!p0 $0x960, s17;
	s31 =	smul.u32 $0xAB, s10;
	[sflag:s2] =	ssyncadd.s32 @!p0 $0xFFFFFCE0  }
0x93: {  	[tilespmem:s0], [sflag:s6] =	stream.indirect.gather @!p0 [hbm4b:s3+s7], $0x20, s16, s7, $0xb8;
	[tilespmem:$0x13560] =	vst v63  }
0x94: {  	s12 =	sadd.s32 @!p0 $0xC8, s16;
	s5 =	sadd.s32 @!p0 $0x9F60, s17;
	s2 =	sshrl.u32 s31, $0x9  }
0x95: {  	[tilespmem:s5], [sflag:s6] =	stream.indirect.gather @!p0 [hbm4b:s4+s7], $0x20, s12, s7, $0xb8;
	[tilespmem:$0x13560] =	vst v63  }
0x96: {  	s0 =	sadd.s32 @!p0 $0x1960, s17;
	s5 =	sadd.s32 @!p0 $0x80, s16;
	s12 =	simm.s32 @!p0 $0x48  }
0x97: {  	[tilespmem:s0], [sflag:s6] =	stream.indirect.gather @!p0 [hbm4b:s3+s12], $0x20, s5, s12, $0xb8;
	[tilespmem:$0x13560] =	vst v63  }
0x98: {  	s2 =	sand.u32 $0x7F, s2;
	s0 =	sadd.s32 @!p0 $0xAF60, s17;
	s5 =	sadd.s32 @!p0 $0x148, s16  }
0x99: {  	[tilespmem:s0], [sflag:s6] =	stream.indirect.gather @!p0 [hbm4b:s4+s12], $0x20, s5, s12, $0xb8;
	[tilespmem:$0x13560] =	vst v63  }
0x9a: {  	s13 =	smul.u32 $0x3, s2;
	s2 =	sadd.s32 @!p0 $0x2260, s17;
	s5 =	sadd.s32 @!p0 $0x190, s16  }
0x9b: {  	[tilespmem:s2], [sflag:s6] =	stream.indirect.gather @!p0 [hbm4b:s3+s7], $0x20, s5, s7, $0xb8;
	[tilespmem:$0x13560] =	vst v63  }
0x9c: {  	s0 =	ssub.s32 s10, s13;
	s2 =	sadd.s32 @!p0 $0xB860, s17;
	s5 =	sadd.s32 @!p0 $0x258, s16  }
0x9d: {  	[tilespmem:s2], [sflag:s6] =	stream.indirect.gather @!p0 [hbm4b:s4+s7], $0x20, s5, s7, $0xb8;
	[tilespmem:$0x13560] =	vst v63  }
0x9e: {  	s0 =	sand.u32 $0xFF, s0;
	s2 =	sadd.s32 @!p0 $0x3260, s17;
	s5 =	sadd.s32 @!p0 $0x210, s16  }
0x9f: {  	[tilespmem:s2], [sflag:s6] =	stream.indirect.gather @!p0 [hbm4b:s3+s12], $0x20, s5, s12, $0xb8;
	[tilespmem:$0x13560] =	vst v63  }
0xa0: {  	s18 =	sadd.s32 $0x1, s0;
	s7 =	sadd.s32 @!p0 $0x2D8, s16;
	s2 =	sadd.s32 @!p0 $0xC860, s17  }
0xa1: {  	[tilespmem:s2], [sflag:s6] =	stream.indirect.gather @!p0 [hbm4b:s4+s12], $0x20, s7, s12, $0xb8;
	[tilespmem:$0x13560] =	vst v63  }
0xa2: {  	_ =	swait.ge [sflag:s18], $0x1000  }
0xa3: {  	[sflag:s18] =	ssyncset.done $0x0  }
0xa4: {  	[sflag:s18] =	ssyncadd.s32 $0xFFFFF000  }
0xa5: {  	_ =	swait.ge [sflag:s18], $0x1000  }
0xa6: {  	[sflag:s18] =	ssyncset.done $0x0  }
0xa7: {  	[sflag:s18] =	ssyncadd.s32 $0xFFFFF000  }
0xa8: {  	_ =	swait.ge [sflag:s18], $0x900  }
0xa9: {  	[sflag:s18] =	ssyncset.done $0x0  }
0xaa: {  	[sflag:s18] =	ssyncadd.s32 $0xFFFFF700  }
0xab: {  	_ =	swait.ge [sflag:s18], $0x900  }
0xac: {  	[sflag:s18] =	ssyncset.done $0x0  }
0xad: {  	[sflag:s18] =	ssyncadd.s32 $0xFFFFF700  }
0xae: {  	_ =	swait.ge [sflag:s18], $0x1000  }
0xaf: {  	[sflag:s18] =	ssyncset.done $0x0  }
0xb0: {  	[sflag:s18] =	ssyncadd.s32 $0xFFFFF000  }
0xb1: {  	p0 =	sgt.u32 s10, $0x3D;
	_ =	swait.ge [sflag:s18], $0x1000  }
0xb2: {  	s2 =	smul.u32 @!p0 $0xAB, s1;
	[sflag:s18] =	ssyncset.done $0x0  }
0xb3: {  	s19 =	sadd.s32 $0xC80, s9;
	[sflag:s18] =	ssyncadd.s32 $0xFFFFF000  }
0xb4: {  	s20 =	smul.u32 $0x3200, s0;
	s2 =	sshrl.u32 @!p0 s2, $0x9;
	_ =	swait.ge [sflag:s18], $0x900  }
0xb5: {  	s2 =	sand.u32 @!p0 $0x7F, s2;
	p0 =	por p0, p0;
	[sflag:s18] =	ssyncset.done $0x0  }
0xb6: {  	s21 =	sadd.s32 $0xFFFFFFFC, s19;
	s2 =	smul.u32 @!p0 $0x3, s2;
	[sflag:s18] =	ssyncadd.s32 $0xFFFFF700  }
0xb7: {  	s0 =	sor.u32 $0x4, s0;
	s22 =	sadd.s32 $0x960, s20;
	_ =	swait.ge [sflag:s18], $0x900  }
0xb8: {  	p1 =	seq.s32 @!p0 s1, $0x2;
	s2 =	ssub.s32 @!p0 s1, s2;
	[sflag:s18] =	ssyncset.done $0x0  }
0xb9: {  	p1 =	por p1, p0;
	s2 =	sand.u32 @!p0 $0xFF, s2;
	[sflag:s18] =	ssyncadd.s32 $0xFFFFF700  }
0xba: {  	[hbm4b:s21+s23] =	stream.strided.scatter [tilespmem:s22], [sflag:s0], $0x3200, s24, s23, $0x38;
	[tilespmem:$0x13560] =	vst v63  }
0xbb: {  	s28 =	sadd.s32 $0x9F60, s20;
	s1 =	sadd.s32 @!p1 $0x4, s2  }
0xbc: {  	[hbm4b:s19+s23] =	stream.strided.scatter [tilespmem:s28], [sflag:s0], $0x3200, s24, s23, $0x38;
	[tilespmem:$0x13560] =	vst v63  }
0xbd: {  	_ =	swait.ge @!p1 [sflag:s1], $0x3200  }
0xbe: {  	[sflag:s1] =	ssyncset.done @!p1 $0x0  }
0xbf: {  	[sflag:s1] =	ssyncadd.s32 @!p1 $0xFFFFCE00  }
0xc0: {  	s0 =	smul.u32 @!p0 $0xC80, s2;
	_ =	swait.ge @!p1 [sflag:s1], $0x3200  }
0xc1: {  	s5 =	sadd.s32 $0x64, s8;
	s7 =	simm.s32 @!p0 $0x0;
	[sflag:s1] =	ssyncset.done @!p1 $0x0  }
0xc2: {  	s8 =	simm.s32 @!p0 $0x7;
	s0 =	sshrl.u32 @!p0 s0, $0x2;
	[sflag:s1] =	ssyncadd.s32 @!p1 $0xFFFFCE00  }
0xc3: {  	[tilespmem:s0], [sflag:$0x7] =	stream.linear.gather @!p0 [hbm4b:s5+s7], $0x320, $0x38;
	[tilespmem:$0x13560] =	vst v63  }
0xc4: {  	s6 =	smul.u32 @!p0 $0x3200, s2;
	_ =	swait.ge @!p0 [sflag:s8], $0x320  }
0xc5: {  	s2 =	sadd.s32 @!p0 $0x1, s2;
	[sflag:s8] =	ssyncset.done @!p0 $0x0  }
0xc6: {  	s1 =	sadd.s32 @!p0 $0x960, s6;
	s5 =	simm.s32 @!p0 $0x80;
	[sflag:s8] =	ssyncadd.s32 @!p0 $0xFFFFFCE0  }
0xc7: {  	[tilespmem:s1], [sflag:s2] =	stream.indirect.gather @!p0 [hbm4b:s3+s5], $0x20, s0, s5, $0xb8;
	[tilespmem:$0x13560] =	vst v63  }
0xc8: {  	s7 =	sadd.s32 @!p0 $0xC8, s0;
	s1 =	sadd.s32 @!p0 $0x9F60, s6  }
0xc9: {  	[tilespmem:s1], [sflag:s2] =	stream.indirect.gather @!p0 [hbm4b:s4+s5], $0x20, s7, s5, $0xb8;
	[tilespmem:$0x13560] =	vst v63  }
0xca: {  	s8 =	simm.s32 @!p0 $0x48;
	s1 =	sadd.s32 @!p0 $0x1960, s6;
	s7 =	sadd.s32 @!p0 $0x80, s0  }
0xcb: {  	[tilespmem:s1], [sflag:s2] =	stream.indirect.gather @!p0 [hbm4b:s3+s8], $0x20, s7, s8, $0xb8;
	[tilespmem:$0x13560] =	vst v63  }
0xcc: {  	s1 =	sadd.s32 @!p0 $0xAF60, s6;
	s7 =	sadd.s32 @!p0 $0x148, s0  }
0xcd: {  	[tilespmem:s1], [sflag:s2] =	stream.indirect.gather @!p0 [hbm4b:s4+s8], $0x20, s7, s8, $0xb8;
	[tilespmem:$0x13560] =	vst v63  }
0xce: {  	s1 =	sadd.s32 @!p0 $0x2260, s6;
	s7 =	sadd.s32 @!p0 $0x190, s0  }
0xcf: {  	[tilespmem:s1], [sflag:s2] =	stream.indirect.gather @!p0 [hbm4b:s3+s5], $0x20, s7, s5, $0xb8;
	[tilespmem:$0x13560] =	vst v63  }
0xd0: {  	s1 =	sadd.s32 @!p0 $0xB860, s6;
	s7 =	sadd.s32 @!p0 $0x258, s0  }
0xd1: {  	[tilespmem:s1], [sflag:s2] =	stream.indirect.gather @!p0 [hbm4b:s4+s5], $0x20, s7, s5, $0xb8;
	[tilespmem:$0x13560] =	vst v63  }
0xd2: {  	s1 =	sadd.s32 @!p0 $0x3260, s6;
	s5 =	sadd.s32 @!p0 $0x210, s0  }
0xd3: {  	[tilespmem:s1], [sflag:s2] =	stream.indirect.gather @!p0 [hbm4b:s3+s8], $0x20, s5, s8, $0xb8;
	[tilespmem:$0x13560] =	vst v63  }
0xd4: {  	s0 =	sadd.s32 @!p0 $0x2D8, s0;
	s1 =	sadd.s32 @!p0 $0xC860, s6  }
0xd5: {  	[tilespmem:s1], [sflag:s2] =	stream.indirect.gather @!p0 [hbm4b:s4+s8], $0x20, s0, s8, $0xb8;
	[tilespmem:$0x13560] =	vst v63  }
0xd6: {  	_ =	swait.ge [sflag:s25], $0x3200  }
0xd7: {  	[sflag:s25] =	ssyncset.done $0x0  }
0xd8: {  	[sflag:s25] =	ssyncadd.s32 $0xFFFFCE00  }
0xd9: {  	_ =	swait.ge [sflag:s25], $0x3200  }
0xda: {  	[sflag:s25] =	ssyncset.done $0x0  }
0xdb: {  	[sflag:s25] =	ssyncadd.s32 $0xFFFFCE00  }
0xdc: {  	_ =	swait.ge [sflag:s26], $0x3200  }
0xdd: {  	[sflag:s26] =	ssyncset.done $0x0  }
0xde: {  	[sflag:s26] =	ssyncadd.s32 $0xFFFFCE00  }
0xdf: {  	_ =	swait.ge [sflag:s26], $0x3200  }
0xe0: {  	[sflag:s26] =	ssyncset.done $0x0  }
0xe1: {  	[sflag:s26] =	ssyncadd.s32 $0xFFFFCE00  }
0xe2: {  	_ =	swait.ge [sflag:s29], $0x3200  }
0xe3: {  	[sflag:s29] =	ssyncset.done $0x0  }
0xe4: {  	[sflag:s29] =	ssyncadd.s32 $0xFFFFCE00  }
0xe5: {  	_ =	swait.ge [sflag:s29], $0x3200  }
0xe6: {  	s30 =	sadd.s32 $0x1, s30;
	s31 =	rddreg [dreg:$0x5]  }
0xe7: {  	p0 =	sne.s32 s30, s31  }
.Ltmp1:
0xe8: {  	_ = 	snop;
	(pc) =	sbr.rel @p0 .LBB2_1-.Ltmp1, $3  }
0xe9: {  	_ =	sdelay $0x1  }
0xea: {  	[sflag:s29] =	ssyncset.done $0x0  }
0xeb: {  	[sflag:s29] =	ssyncadd.s32 $0xFFFFCE00  }
0xec: {  	_ =	sfence.sel $0x180000  }
0xed: {  	[bflag:$0x0] =	sbarrier.arrive $0xFFFF  }
0xee: {  	_ =	strace $0x90000047  }
0xef: {  	s0 =	stileid.u32;
	[bflag:$0x2] =	sbarrier.arrive $0xFFFF  }
0xf0: {  	p0 =	sne.s32 s0, $0x0;
	s0 =	rddreg [dreg:$0x2]  }
0xf1: {  	s0 =	sadd.s32 @!p0 $0x100000, s0  }
0xf2: {  	[sflag:s0] =	ssyncadd.tile.s32 @!p0 $0x1;
	_ =	shalt  }
.Lfunc_end2:
_tile_overlayer_lowered:
.L_overlay_start_2:
0xf3: {  	(tag) =	ssettag $0x2  }
0xf4: {  	s0 =	rddreg [dreg:$0x0];
	s2 =	stileid.u32  }
0xf5: {  	s1 =	rddreg [dreg:$0x1];
	p0 =	sne.s32 s2, $0x0  }
0xf6: {  	s3 =	rddreg [dreg:$0x2];
	[bflag:$0x3] =	sbarrier.arrive $0xFFFF;
	s2 =	simm.s32 @!p0 $0x1C07  }
0xf7: {  	[timem:s3], [sflag:s2] =	dma.local @!p0 [hbm:s0], s1  }
0xf8: {  	s0 =	simm.s32 @!p0 $0x7  }
0xf9: {  	_ =	swait.ge @!p0 [sflag:s0], s1  }
0xfa: {  	s1 =	ssub.s32 @!p0 $0x0, s1;
	[sflag:s0] =	ssyncset.done @!p0 $0x0  }
0xfb: {  	[sflag:s0] =	ssyncadd.s32 @!p0 s1  }
0xfc: {  	[bflag:$0x3] =	sbarrier.arrive $0xFFFF  }
0xfd: {  	_ =	shalt  }

// kernel: sparse-core-data-format-call.cloned.1.call-start
scs
called_computation_lowered:
.L_overlay_start_0:
0x0: {  	s2 =	sld [smem:$0x3FD9]  }
0x1: {  	s3 =	sld [smem:$0x3FFE];
	_ =	sdelay $0x1  }
0x2: {  	s1 =	srdreg.scid  }
0x3: {  	s0 =	sand.u32 $0x1, s1  }
0x4: {  	s18 =	sshll.u32 s0, $0xA;
	s2 =	sadd.s32 s3, s2  }
0x5: {  	s2 =	sadd.s32 s2, s18  }
0x6: {  	[smem:$0x3FC5] =	sst s2  }
0x7: {  	_ = 	snop  }
0x8: {  	s2 =	sld [smem:$0x3FD0];
	(tm) =	ssettm $0x1  }
0x9: {  	s19 =	sld [smem:$0x3FFB];
	_ =	sdelay $0x3  }
0xa: {  	_ =	strace s19  }
0xb: {  	s3 =	sld [smem:$0x3FFC];
	_ =	sdelay $0x3  }
0xc: {  	_ =	strace s3  }
0xd: {  	s3 =	sld [smem:$0x3FFD];
	_ =	sdelay $0x3  }
0xe: {  	_ =	strace s3  }
0xf: {  	_ =	strace $0x8FFFFFFF  }
0x10: {  	s20 =	sld [smem:$0x3FDB];
	_ =	sdelay $0x1  }
0x11: {  	s4 =	simm.s32 $_scs_section_size  }
0x12: {  	s5 =	simm.s32 $_size__tile_overlayer_lowered;
	s6 =	simm.s32 $_tile_overlayer_lowered  }
0x13: {  	s23 =	simm.s32 $0x1BFF;
	s22 =	sshll.u32 s6, $0x1;
	s3 =	sadd.s32 s4, s20  }
0x14: {  	s7 =	simm.s32 $0x0;
	s21 =	sshll.u32 s5, $0x1;
	s5 =	sadd.s32 s22, s3  }
0x15: {  	[timem:s7], [sflag:s23] =	dma.local [hbm:s5], s21  }
0x16: {  	_ =	swait.ge [sflag:s23], s21  }
0x17: {  	s4 =	ssub.s32 $0x0, s21;
	[sflag:s23] =	ssyncset.done $0x0  }
0x18: {  	[sflag:s23] =	ssyncadd.s32 s4;
	_ =	sdelay $0x1  }
0x19: {  	s24 =	simm.s32 $0x1B8B  }
0x1a: {  	_ =	swait.ge [sflag:s24], $0x1  }
0x1b: {  	[sflag:s24] =	ssyncset.done $0x0  }
0x1c: {  	s26 =	simm.s32 $0x1B8E;
	s25 =	sld [smem:$0x3FFE];
	[sflag:s24] =	ssyncadd.s32 $0xFFFFFFFF  }
0x1d: {  	s27 =	simm.s32 $execute0_lowered;
	[smem:$0x3FD2] =	sst s26  }
0x1e: {  	s5 =	sshll.u32 s27, $0x1;
	_ =	strace $0x80000049;
	[dreg:$0x1] =	wrdreg $0xFFFFFFFF  }
0x1f: {  	s28 =	simm.s32 $_size_execute0_lowered;
	s3 =	sadd.s32 s3, s5;
	[dreg:$0x0] =	wrdreg $0x0  }
0x20: {  	s5 =	sshll.u32 s28, $0x1;
	[dreg:$0x2] =	wrdreg s3  }
0x21: {  	[dreg:$0x3] =	wrdreg s5  }
0x22: {  	[dreg:$0x4] =	wrdreg $0xC0  }
0x23: {  	_ =	task [dreg:s7], $0x5FFFF  }
0x24: {  	[dreg:$0x1] =	wrdreg $0xFFFFFFFF  }
0x25: {  	[dreg:$0x0] =	wrdreg $0x60  }
0x26: {  	[dreg:$0x2] =	wrdreg s25  }
0x27: {  	[dreg:$0x3] =	wrdreg s2  }
0x28: {  	[dreg:$0x4] =	wrdreg $0x9  }
0x29: {  	_ =	task.clear_ibuf [dreg:s7], $0x5FFFF;
	_ =	strace $0x90000049  }
0x2a: {  	s29 =	simm.s32 $0x9;
	_ =	strace $0x8000004B  }
0x2b: {  	_ =	swait.ge [sflag:s29], $0x1  }
0x2c: {  	[sflag:s29] =	ssyncadd.s32 $0xFFFFFFFF  }
0x2d: {  	_ =	strace $0x9000004B  }
0x2e: {  	_ =	sfence  }
0x2f: {  	s30 =	sld [smem:$0x0];
	_ =	sdelay $0x2  }
0x30: {  	s31 =	sshll.u32 s1, $0xD;
	s1 =	sshrl.u32 s1, $0x2  }
0x31: {  	s3 =	sand.u32 $0x4000, s31;
	s1 =	sadd.s32 s1, s30  }
0x32: {  	s0 =	sor.u32 s3, s0;
	s1 =	sshll.u32 s1, $0x11  }
0x33: {  	s0 =	sor.u32 s1, s0  }
0x34: {  	s0 =	sadd.s32 $0x8F2B, s0  }
0x35: {  	[sflag:s0] =	ssyncadd.remote.s32 $0x1  }
0x36: {  	_ =	sfence.sel $0xFFFF  }
0x37: {  	[dreg:$0x0] =	wrdreg $0xFFFFFFFF;
	(pc) =	sbr.abs _section_cstart, $3  }
0x38: {  	[dreg:$0x1] =	wrdreg $0xFFFFFFFF  }
0x39: {  	_ =	task.clear_ibuf [dreg:s7], $0x2FFFF;
	_ =	strace $0x9FFFFFFF  }
0x3a: {  	(tm) =	ssettm $0x7FFFFFFF  }
0x3b: {  	_ =	shalt  }
tec
execute0_lowered:
.L_overlay_start_1:
0x0: {  	(tag) =	ssettag $0x1  }
0x1: {  	s0 =	srdreg.scid  }
0x2: {  	s1 =	sshll.u32 s0, $0x4  }
0x3: {  	s0 =	stileid.u32;
	s1 =	sand.u32 $0x10, s1  }
0x4: {  	s1 =	sor.u32 s0, s1  }
0x5: {  	s6 =	rddreg [dreg:$0x0];
	s4 =	simm.s32 $0x1;
	s2 =	sshll.u32 s1, $0x7  }
0x6: {  	s7 =	simm.s32 $0x2;
	s12 =	simm.s32 $0x0;
	s1 =	ssub.s32 $0x1000, s2  }
0x7: {  	s8 =	simm.s32 $0x8000;
	s13 =	simm.s32 $0x0;
	s3 =	sand.u32 $0xF80, s1  }
0x8: {  	s9 =	simm.s32 $0x0;
	s5 =	sshrl.u32 s1, $0xC;
	p0 =	sne.s32 s3, $0x0  }
.Ltmp0:
0x9: {  	s1 =	rddreg [dreg:$0x2];
	s4 =	simm.s32 @!p0 $0x0;
	(pc) =	sbr.rel .LBB1_1-.Ltmp0, $4  }
0xa: {  	s11 =	simm.s32 $0x0;
	s3 =	rddreg [dreg:$0x1];
	s5 =	sadd.s32 s4, s5  }
0xb: {  	_ =	strace $0x8000004A;
	s4 =	simm.s32 $0x1;
	s5 =	smul.u32 $0xC8, s5  }
0xc: {  	s6 =	sadd.s32 $0x2800, s6;
	s10 =	smov.u32 s2;
	[sflag:s4] =	ssyncpa.u1 $0x0  }
0xd: {  	p0 =	por $0x0, $0x0;
	[sflag:s7] =	ssyncpa.u1 $0x0;
	s7 =	sor.u32 $0x1, s5  }
.LBB1_4:
0xe: {  	s16 =	sshll.u32 s13, $0x3;
	s17 =	sand.u32 $0x78, s13  }
0xf: {  	s30 =	sand.u32 $0x7E00, s13;
	s12 =	sshll.u32 s12, $0xF;
	s16 =	sand.u32 $0xC00, s16  }
0x10: {  	[tilespmem:s15+$0x810 ss:$0x81] =	vst.msk $0xffff, v2;
	s31 =	sand.u32 $0x7, s13;
	s16 =	sor.u32 s17, s16;
	s17 =	sadd.s32 s3, s30  }
0x11: {  	[tilespmem:s15+$0x1020 ss:$0x81] =	vst.msk $0xffff, v0;
	s13 =	sshll.u32 s31, $0x12;
	s12 =	sadd.s32 s12, s17;
	s16 =	sshrl.u32 s16, $0x3  }
0x12: {  	[tilespmem:s15+$0x0 ss:$0x81] =	vst.msk $0xffff, v1;
	s13 =	sor.u32 $0x400, s13;
	s12 =	sadd.s32 s16, s12  }
0x13: {  	[hbm4b:s12+s13] =	stream.strided.scatter [tilespmem:s14], [sflag:$0x2], $0x2000, s8, s13, $0x20;
	[tilespmem:$0x8080] =	vst v63  }
.LBB1_5:
0x14: {  	s14 =	sadd.s32 $0x1, s9  }
0x15: {  	s12 =	sadd.s32 $0x1000, s10;
	s16 =	smov.u32 s10;
	p2 =	sgt.s32 s14, $0xC7  }
0x16: {  	s16 =	smov.u32 @p2 s12  }
0x17: {  	s14 =	simm.s32 @p2 $0x0;
	p2 =	sgt.s32 s16, $0xFFF  }
0x18: {  	s16 =	smov.u32 @p2 s2;
	p2 =	sne.s32 s11, s7  }
.Ltmp1:
0x19: {  	p1 =	slt.u32 s11, $0x2;
	(pc) =	sbr.rel @!p2 .LBB1_6-.Ltmp1, $4  }
0x1a: {  	s15 =	simm.s32 @!p1 $0x2  }
0x1b: {  	s13 =	smov.u32 s10;
	p0 =	por !p0, !p0;
	_ =	swait.ge @!p1 [sflag:s15], $0x2000  }
0x1c: {  	s12 =	smov.u32 s9;
	[sflag:s15] =	ssyncset.done @!p1 $0x0;
	s9 =	smov.u32 s14  }
0x1d: {  	s11 =	sadd.s32 $0x1, s11;
	[sflag:s15] =	ssyncadd.s32 @!p1 $0xFFFFE000;
	s10 =	smov.u32 s16  }
.LBB1_1:
0x1e: {  	p1 =	sge.u32 s11, s5  }
0x1f: {  	s14 =	sand.u32 @!p1 $0x1FFFFFF, s9  }
0x20: {  	s15 =	smulhi.u32 @!p1 $0x147AE15, s14;
	_ =	sdelay $0x1  }
0x21: {  	s15 =	smul.u32 @!p1 $0xC8, s15  }
0x22: {  	s16 =	sxor.u32 @!p1 $0xFFFFFFFF, s11;
	s17 =	smul.u32 @!p1 $0xC80, s10  }
0x23: {  	s31 =	sadd.s32 $0xFFFFFFFF, s11;
	s16 =	sshll.u32 @!p1 s16, $0xD;
	s14 =	ssub.s32 @!p1 s14, s15  }
0x24: {  	s15 =	sand.u32 @!p1 $0x2000, s16;
	s16 =	sadd.s32 @!p1 s6, s17;
	s14 =	sshll.u32 @!p1 s14, $0x4  }
0x25: {  	s17 =	simm.s32 @!p1 $0x6400;
	s14 =	sadd.s32 @!p1 s14, s16;
	s16 =	simm.s32 @!p1 $0x40  }
0x26: {  	[tilespmem:s15], [sflag:$0x1] =	stream.strided.gather @!p1 [hbm4b:s14+s16], $0x2000, s17, s16, $0x38;
	[tilespmem:$0x8080] =	vst v63  }
0x27: {  	p1 =	sge.u32 s31, s5  }
.Ltmp2:
0x28: {  	_ = 	snop;
	(pc) =	sbr.rel @p1 .LBB1_5-.Ltmp2, $1  }
0x29: {  	_ =	sdelay $0x3  }
0x2a: {  	s14 =	simm.s32 $0x1  }
0x2b: {  	_ =	swait.ge [sflag:s4], $0x2000;
	s14 =	simm.s32 @!p0 $0x0  }
0x2c: {  	[sflag:s4] =	ssyncset.done $0x0;
	s15 =	sshll.u32 s14, $0xD  }
0x2d: {  	[sflag:s4] =	ssyncadd.s32 $0xFFFFE000;
	s18 =	sor.u32 $0x20, s15  }
0x2e: {  	s14 =	smul.u32 $0x8100, s14;
	v3 =	vld [tilespmem:s18+$0x10]  }
0x2f: {  	s30 =	sand.u32 $0x1, s11;
	v2 =	vld [tilespmem:s18+$0xFFFFFFF0]  }
0x30: {  	s15 =	smul.u32 $0x8100, s30;
	s14 =	sshrl.u32 s14, $0x2;
	v0 =	vld [tilespmem:s18+$0x0]  }
0x31: {  	v1 =	vld [tilespmem:s18+$0xFFFFFFE0];
	s16 =	sor.u32 $0x4000, s14  }
0x32: {  	s31 =	sshrl.u32 s15, $0x2;
	s15 =	sadd.s32 $0x0, s16  }
0x33: {  	s17 =	simm.s32 $0x4;
	s18 =	sadd.s32 $0x40, s18;
	s14 =	sor.u32 $0x4000, s31;
	[tilespmem:s15+$0x1830 ss:$0x81] =	vst.msk $0xffff, v3  }
.LBB1_3:
0x34: {  	v3 =	vld [tilespmem:s18+$0x10];
	p1 =	sne.s32 s17, $0x1FC;
	[tilespmem:s15+$0x810 ss:$0x81] =	vst.msk $0xffff, v2;
	s19 =	smov.u32 s17;
	s17 =	sadd.s32 $0x4, s17  }
.Ltmp3:
0x35: {  	v2 =	vld [tilespmem:s18+$0xFFFFFFF0];
	[tilespmem:s15+$0x1020 ss:$0x81] =	vst.msk $0xffff, v0;
	(pc) =	sbr.rel @p1 .LBB1_3-.Ltmp3, $4  }
0x36: {  	v0 =	vld [tilespmem:s18+$0x0];
	[tilespmem:s15+$0x0 ss:$0x81] =	vst.msk $0xffff, v1  }
0x37: {  	s15 =	sshra.s32 s19, $0x2;
	v1 =	vld [tilespmem:s18+$0xFFFFFFE0]  }
0x38: {  	s15 =	sadd.s32 s15, s16  }
0x39: {  	s18 =	sadd.s32 $0x40, s18;
	[tilespmem:s15+$0x1830 ss:$0x81] =	vst.msk $0xffff, v3  }
.Ltmp4:
0x3a: {  	_ = 	snop;
	(pc) =	sbr.rel .LBB1_4-.Ltmp4, $1  }
0x3b: {  	_ =	sdelay $0x3  }
.LBB1_6:
0x3c: {  	_ =	sfence.sel $0x180000  }
0x3d: {  	s2 =	simm.s32 $0x1;
	[bflag:$0x0] =	sbarrier.arrive $0xFFFF  }
0x3e: {  	s31 =	simm.s32 $0x2;
	[sflag:s2] =	ssyncpa.u1 $0x1  }
0x3f: {  	[sflag:s31] =	ssyncpa.u1 $0x1  }
0x40: {  	p0 =	sne.s32 s0, $0x0;
	_ =	strace $0x9000004A  }
0x41: {  	s0 =	sadd.s32 @!p0 $0x100000, s1;
	[bflag:$0x2] =	sbarrier.arrive $0xFFFF  }
0x42: {  	[sflag:s0] =	ssyncadd.tile.s32 @!p0 $0x1;
	_ =	shalt  }
.Lfunc_end1:
_tile_overlayer_lowered:
.L_overlay_start_2:
0x43: {  	(tag) =	ssettag $0x2  }
0x44: {  	s0 =	rddreg [dreg:$0x0];
	s2 =	stileid.u32  }
0x45: {  	s1 =	rddreg [dreg:$0x1];
	p0 =	sne.s32 s2, $0x0  }
0x46: {  	s3 =	rddreg [dreg:$0x2];
	[bflag:$0x3] =	sbarrier.arrive $0xFFFF;
	s2 =	simm.s32 @!p0 $0x1C01  }
0x47: {  	[timem:s3], [sflag:s2] =	dma.local @!p0 [hbm:s0], s1  }
0x48: {  	s0 =	simm.s32 @!p0 $0x1  }
0x49: {  	_ =	swait.ge @!p0 [sflag:s0], s1  }
0x4a: {  	s1 =	ssub.s32 @!p0 $0x0, s1;
	[sflag:s0] =	ssyncset.done @!p0 $0x0  }
0x4b: {  	[sflag:s0] =	ssyncadd.s32 @!p0 s1  }
0x4c: {  	[bflag:$0x3] =	sbarrier.arrive $0xFFFF  }
0x4d: {  	_ =	shalt  }

</sc_bundles>
